<compile_context>
chip_gen: v7x
topology: tpu7x:2x2x1
jax: 0.10.2.dev20260603
libtpu: 0.0.44.dev20260713+nightly
codegen_flags: <defaults>
</compile_context>

<pallas_src>
import functools

import jax
import jax.numpy as jnp
from jax import lax
from jax.experimental import pallas as pl
from jax.experimental.pallas import tpu as pltpu
from jax.experimental.pallas import tpu_sc as plsc

_VOCAB = 100000
_D = 128
_ROWS = 4096
_SEQ = 50

_info = plsc.get_sparse_core_info()
_NC = _info.num_cores
_NS = _info.num_subcores
_NW = _NC * _NS
_RPW = _ROWS // _NW
_CPP = 2
_CH = _RPW // _CPP
_N_CHUNKS = _SEQ * _CPP
_NB = 10
_GROUPS = _N_CHUNKS // _NB
_REM = _N_CHUNKS - _GROUPS * _NB

_mesh = plsc.VectorSubcoreMesh(core_axis_name="c", subcore_axis_name="s")


@functools.partial(
    pl.kernel,
    mesh=_mesh,
    out_type=jax.ShapeDtypeStruct((_SEQ, _ROWS, _D), jnp.float32),
    scratch_types=[
        pltpu.VMEM((_N_CHUNKS, _CH), jnp.int32),
        pltpu.VMEM((_NB, _CH, _D), jnp.float32),
    ]
    + [pltpu.SemaphoreType.DMA] * (2 * _NB),
)
def _sc_gather(idx_hbm, table_hbm, out_hbm, idx_v, rows_v, *sems):
    gsems = sems[:_NB]
    ssems = sems[_NB:]
    wid = lax.axis_index("s") * _NC + lax.axis_index("c")
    i_base = wid * _RPW
    pltpu.sync_copy(idx_hbm.at[wid], idx_v)

    for b in range(_NB):
        pltpu.async_copy(table_hbm.at[idx_v.at[b]], rows_v.at[b], gsems[b])

    def group(g, carry):
        for b in range(_NB):
            j = g * _NB + b
            pltpu.make_async_copy(
                table_hbm.at[idx_v.at[j]], rows_v.at[b], gsems[b]
            ).wait()
            pltpu.async_copy(
                rows_v.at[b],
                out_hbm.at[j // _CPP, pl.ds(i_base + (j % _CPP) * _CH, _CH)],
                ssems[b],
            )

        @pl.when(g < _GROUPS - 1)
        def _():
            for b in range(_NB):
                jn = (g + 1) * _NB + b
                pltpu.make_async_copy(
                    rows_v.at[b], out_hbm.at[0, pl.ds(i_base, _CH)], ssems[b]
                ).wait()
                pltpu.async_copy(
                    table_hbm.at[idx_v.at[jn]], rows_v.at[b], gsems[b]
                )

        return carry

    lax.fori_loop(0, _GROUPS, group, 0)

    for b in range(_REM):
        jn = _GROUPS * _NB + b
        pltpu.make_async_copy(
            rows_v.at[b], out_hbm.at[0, pl.ds(i_base, _CH)], ssems[b]
        ).wait()
        pltpu.async_copy(table_hbm.at[idx_v.at[jn]], rows_v.at[b], gsems[b])
    for b in range(_REM):
        jn = _GROUPS * _NB + b
        pltpu.make_async_copy(
            table_hbm.at[idx_v.at[jn]], rows_v.at[b], gsems[b]
        ).wait()
        pltpu.async_copy(
            rows_v.at[b],
            out_hbm.at[jn // _CPP, pl.ds(i_base + (jn % _CPP) * _CH, _CH)],
            ssems[b],
        )

    for b in range(_NB):
        pltpu.make_async_copy(
            rows_v.at[b], out_hbm.at[0, pl.ds(i_base, _CH)], ssems[b]
        ).wait()


def kernel(x, embedding_weights):
    idx = x.astype(jnp.int32).reshape(_NW, _RPW, _SEQ).transpose(0, 2, 1)
    idx = idx.reshape(_NW, _N_CHUNKS, _CH)
    out = _sc_gather(idx, embedding_weights)
    return out.transpose(1, 0, 2)

# --- scband reference (transcript-rebuilt; emitter-appended) ---
"""Pipeline reference for scband-word-embeddings-91036126806446 (READ-ONLY COPY).

The authoritative reference and input builder live on the scoring server;
editing this copy changes nothing except your own understanding.
"""

import jax, jax.numpy as jnp
import numpy as np

VOCAB = 100000
EMBED_DIM = 128

def setup_inputs(seed: int = 0) -> dict:
    key = jax.random.key(seed)
    k_idx, k_w = jax.random.split(key)
    x = jax.random.randint(k_idx, (4096, 50), 0, VOCAB, dtype=jnp.int64 if jax.config.read('jax_enable_x64') else jnp.int32)
    embedding_weights = jax.random.normal(k_w, (VOCAB, EMBED_DIM), dtype=jnp.float32)
    return {"x": x, "embedding_weights": embedding_weights}

def reference(x, embedding_weights):
    # Faithful translation of: return self.embedding_weights[x]
    return jnp.take(embedding_weights, x, axis=0)

if __name__ == "__main__":
    import jax
    _d = setup_inputs()
    print(jax.jit(kernel)(*tuple(_d.values())))

</pallas_src>

<mosaic_0001>
#map = affine_map<(d0, d1) -> (0, 0, 0)>
#map1 = affine_map<(d0, d1) -> (0, 0)>
module attributes {stable_mosaic.version = 14 : i64} {
  func.func @_sc_gather(%arg0: i32, %arg1: i32, %arg2: memref<32x100x64xi32, #tpu.memory_space<hbm>>, %arg3: memref<100000x128xf32, #tpu.memory_space<hbm>>, %arg4: memref<50x4096x128xf32, #tpu.memory_space<hbm>>, %arg5: memref<100x64xi32, #tpu.memory_space<vmem>>, %arg6: memref<10x64x128xf32, #tpu.memory_space<vmem>>, %arg7: memref<!tpu.dma_semaphore, #tpu.memory_space<semaphore_mem>>, %arg8: memref<!tpu.dma_semaphore, #tpu.memory_space<semaphore_mem>>, %arg9: memref<!tpu.dma_semaphore, #tpu.memory_space<semaphore_mem>>, %arg10: memref<!tpu.dma_semaphore, #tpu.memory_space<semaphore_mem>>, %arg11: memref<!tpu.dma_semaphore, #tpu.memory_space<semaphore_mem>>, %arg12: memref<!tpu.dma_semaphore, #tpu.memory_space<semaphore_mem>>, %arg13: memref<!tpu.dma_semaphore, #tpu.memory_space<semaphore_mem>>, %arg14: memref<!tpu.dma_semaphore, #tpu.memory_space<semaphore_mem>>, %arg15: memref<!tpu.dma_semaphore, #tpu.memory_space<semaphore_mem>>, %arg16: memref<!tpu.dma_semaphore, #tpu.memory_space<semaphore_mem>>, %arg17: memref<!tpu.dma_semaphore, #tpu.memory_space<semaphore_mem>>, %arg18: memref<!tpu.dma_semaphore, #tpu.memory_space<semaphore_mem>>, %arg19: memref<!tpu.dma_semaphore, #tpu.memory_space<semaphore_mem>>, %arg20: memref<!tpu.dma_semaphore, #tpu.memory_space<semaphore_mem>>, %arg21: memref<!tpu.dma_semaphore, #tpu.memory_space<semaphore_mem>>, %arg22: memref<!tpu.dma_semaphore, #tpu.memory_space<semaphore_mem>>, %arg23: memref<!tpu.dma_semaphore, #tpu.memory_space<semaphore_mem>>, %arg24: memref<!tpu.dma_semaphore, #tpu.memory_space<semaphore_mem>>, %arg25: memref<!tpu.dma_semaphore, #tpu.memory_space<semaphore_mem>>, %arg26: memref<!tpu.dma_semaphore, #tpu.memory_space<semaphore_mem>>) attributes {dimension_semantics = [#tpu.dimension_semantics<core_parallel>, #tpu.dimension_semantics<subcore_parallel>], iteration_bounds = array<i64: 2, 16>, scalar_prefetch = 0 : i64, scratch_operands = 22 : i64, tpu.core_type = #tpu.core_type<sc_vector_subcore>, window_params = [{transform_indices = #map}, {transform_indices = #map1}, {transform_indices = #map}]} {
    %mul3A = arith.constant 2 : i32
    %mul3A_0 = arith.muli %arg1, %mul3A : i32
    %add3A = arith.addi %mul3A_0, %arg0 : i32
    %mul3A_1 = arith.constant 128 : i32
    %mul3A_2 = arith.muli %add3A, %mul3A_1 : i32
    "tpu.region"() ({
      %run_scoped3A = tpu.sem_alloc : memref<!tpu.dma_semaphore, #tpu.memory_space<semaphore_mem>>
      %dma_start3A_286 = arith.constant 0 : i32
      %dma_start3A_287 = arith.constant 0 : i32
      %dma_start3A_288 = tpu.memref_slice %arg2[%add3A, %dma_start3A_286, %dma_start3A_287] : memref<32x100x64xi32, #tpu.memory_space<hbm>> -> memref<1x100x64xi32, #tpu.memory_space<hbm>>
      %dma_start3A_289 = tpu.memref_squeeze %dma_start3A_288 : memref<1x100x64xi32, #tpu.memory_space<hbm>> -> memref<100x64xi32, #tpu.memory_space<hbm>>
      %dma_start3A_290 = arith.constant 0 : i32
      %dma_start3A_291 = arith.constant 0 : i32
      %dma_start3A_292 = tpu.memref_slice %arg2[%add3A, %dma_start3A_290, %dma_start3A_291] : memref<32x100x64xi32, #tpu.memory_space<hbm>> -> memref<1x100x64xi32, #tpu.memory_space<hbm>>
      %dma_start3A_293 = tpu.memref_squeeze %dma_start3A_292 : memref<1x100x64xi32, #tpu.memory_space<hbm>> -> memref<100x64xi32, #tpu.memory_space<hbm>>
      tpu.enqueue_dma source(%dma_start3A_293 : memref<100x64xi32, #tpu.memory_space<hbm>>) target(%arg5 : memref<100x64xi32, #tpu.memory_space<vmem>>) target_semaphore(%run_scoped3A : memref<!tpu.dma_semaphore, #tpu.memory_space<semaphore_mem>>)
      %dma_wait3A_294 = arith.constant 0 : i32
      %dma_wait3A_295 = arith.constant 0 : i32
      %dma_wait3A_296 = tpu.memref_slice %arg2[%add3A, %dma_wait3A_294, %dma_wait3A_295] : memref<32x100x64xi32, #tpu.memory_space<hbm>> -> memref<1x100x64xi32, #tpu.memory_space<hbm>>
      %dma_wait3A_297 = tpu.memref_squeeze %dma_wait3A_296 : memref<1x100x64xi32, #tpu.memory_space<hbm>> -> memref<100x64xi32, #tpu.memory_space<hbm>>
      %dma_wait3A_298 = arith.constant 0 : i32
      %dma_wait3A_299 = arith.constant 0 : i32
      %dma_wait3A_300 = tpu.memref_slice %arg2[%add3A, %dma_wait3A_298, %dma_wait3A_299] : memref<32x100x64xi32, #tpu.memory_space<hbm>> -> memref<1x100x64xi32, #tpu.memory_space<hbm>>
      %dma_wait3A_301 = tpu.memref_squeeze %dma_wait3A_300 : memref<1x100x64xi32, #tpu.memory_space<hbm>> -> memref<100x64xi32, #tpu.memory_space<hbm>>
      tpu.wait_dma2 semaphore(%run_scoped3A : memref<!tpu.dma_semaphore, #tpu.memory_space<semaphore_mem>>) src(%dma_wait3A_301 : memref<100x64xi32, #tpu.memory_space<hbm>>) dst(%arg5 : memref<100x64xi32, #tpu.memory_space<vmem>>)
      tpu.yield
    }) : () -> ()
    %dma_start3A = arith.constant 0 : i32
    %dma_start3A_3 = arith.constant 0 : i32
    %dma_start3A_4 = arith.constant 0 : i32
    %dma_start3A_5 = arith.constant 0 : i32
    %dma_start3A_6 = tpu.memref_slice %arg6[%dma_start3A_3, %dma_start3A_4, %dma_start3A_5] : memref<10x64x128xf32, #tpu.memory_space<vmem>> -> memref<1x64x128xf32, #tpu.memory_space<vmem>>
    %dma_start3A_7 = tpu.memref_squeeze %dma_start3A_6 : memref<1x64x128xf32, #tpu.memory_space<vmem>> -> memref<64x128xf32, #tpu.memory_space<vmem>>
    %dma_start3A_8 = arith.constant 0 : i32
    %dma_start3A_9 = tpu.memref_slice %arg5[%dma_start3A, %dma_start3A_8] : memref<100x64xi32, #tpu.memory_space<vmem>> -> memref<1x64xi32, #tpu.memory_space<vmem>>
    %dma_start3A_10 = tpu.memref_squeeze %dma_start3A_9 : memref<1x64xi32, #tpu.memory_space<vmem>> -> memref<64xi32, #tpu.memory_space<vmem>>
    %dma_start3A_11 = arith.constant 0 : i32
    %dma_start3A_12 = arith.constant 0 : i32
    %dma_start3A_13 = tpu.memref_slice %arg3[%dma_start3A_11, %dma_start3A_12] : memref<100000x128xf32, #tpu.memory_space<hbm>> -> memref<100000x128xf32, #tpu.memory_space<hbm>>
    tpu.enqueue_indirect_dma source(%dma_start3A_13 : memref<100000x128xf32, #tpu.memory_space<hbm>>) target(%dma_start3A_7 : memref<64x128xf32, #tpu.memory_space<vmem>>) offsets(%dma_start3A_10 : memref<64xi32, #tpu.memory_space<vmem>>) semaphore(%arg7 : memref<!tpu.dma_semaphore, #tpu.memory_space<semaphore_mem>>)
    %dma_start3A_14 = arith.constant 1 : i32
    %dma_start3A_15 = arith.constant 1 : i32
    %dma_start3A_16 = arith.constant 0 : i32
    %dma_start3A_17 = arith.constant 0 : i32
    %dma_start3A_18 = tpu.memref_slice %arg6[%dma_start3A_15, %dma_start3A_16, %dma_start3A_17] : memref<10x64x128xf32, #tpu.memory_space<vmem>> -> memref<1x64x128xf32, #tpu.memory_space<vmem>>
    %dma_start3A_19 = tpu.memref_squeeze %dma_start3A_18 : memref<1x64x128xf32, #tpu.memory_space<vmem>> -> memref<64x128xf32, #tpu.memory_space<vmem>>
    %dma_start3A_20 = arith.constant 0 : i32
    %dma_start3A_21 = tpu.memref_slice %arg5[%dma_start3A_14, %dma_start3A_20] : memref<100x64xi32, #tpu.memory_space<vmem>> -> memref<1x64xi32, #tpu.memory_space<vmem>>
    %dma_start3A_22 = tpu.memref_squeeze %dma_start3A_21 : memref<1x64xi32, #tpu.memory_space<vmem>> -> memref<64xi32, #tpu.memory_space<vmem>>
    %dma_start3A_23 = arith.constant 0 : i32
    %dma_start3A_24 = arith.constant 0 : i32
    %dma_start3A_25 = tpu.memref_slice %arg3[%dma_start3A_23, %dma_start3A_24] : memref<100000x128xf32, #tpu.memory_space<hbm>> -> memref<100000x128xf32, #tpu.memory_space<hbm>>
    tpu.enqueue_indirect_dma source(%dma_start3A_25 : memref<100000x128xf32, #tpu.memory_space<hbm>>) target(%dma_start3A_19 : memref<64x128xf32, #tpu.memory_space<vmem>>) offsets(%dma_start3A_22 : memref<64xi32, #tpu.memory_space<vmem>>) semaphore(%arg8 : memref<!tpu.dma_semaphore, #tpu.memory_space<semaphore_mem>>)
    %dma_start3A_26 = arith.constant 2 : i32
    %dma_start3A_27 = arith.constant 2 : i32
    %dma_start3A_28 = arith.constant 0 : i32
    %dma_start3A_29 = arith.constant 0 : i32
    %dma_start3A_30 = tpu.memref_slice %arg6[%dma_start3A_27, %dma_start3A_28, %dma_start3A_29] : memref<10x64x128xf32, #tpu.memory_space<vmem>> -> memref<1x64x128xf32, #tpu.memory_space<vmem>>
    %dma_start3A_31 = tpu.memref_squeeze %dma_start3A_30 : memref<1x64x128xf32, #tpu.memory_space<vmem>> -> memref<64x128xf32, #tpu.memory_space<vmem>>
    %dma_start3A_32 = arith.constant 0 : i32
    %dma_start3A_33 = tpu.memref_slice %arg5[%dma_start3A_26, %dma_start3A_32] : memref<100x64xi32, #tpu.memory_space<vmem>> -> memref<1x64xi32, #tpu.memory_space<vmem>>
    %dma_start3A_34 = tpu.memref_squeeze %dma_start3A_33 : memref<1x64xi32, #tpu.memory_space<vmem>> -> memref<64xi32, #tpu.memory_space<vmem>>
    %dma_start3A_35 = arith.constant 0 : i32
    %dma_start3A_36 = arith.constant 0 : i32
    %dma_start3A_37 = tpu.memref_slice %arg3[%dma_start3A_35, %dma_start3A_36] : memref<100000x128xf32, #tpu.memory_space<hbm>> -> memref<100000x128xf32, #tpu.memory_space<hbm>>
    tpu.enqueue_indirect_dma source(%dma_start3A_37 : memref<100000x128xf32, #tpu.memory_space<hbm>>) target(%dma_start3A_31 : memref<64x128xf32, #tpu.memory_space<vmem>>) offsets(%dma_start3A_34 : memref<64xi32, #tpu.memory_space<vmem>>) semaphore(%arg9 : memref<!tpu.dma_semaphore, #tpu.memory_space<semaphore_mem>>)
    %dma_start3A_38 = arith.constant 3 : i32
    %dma_start3A_39 = arith.constant 3 : i32
    %dma_start3A_40 = arith.constant 0 : i32
    %dma_start3A_41 = arith.constant 0 : i32
    %dma_start3A_42 = tpu.memref_slice %arg6[%dma_start3A_39, %dma_start3A_40, %dma_start3A_41] : memref<10x64x128xf32, #tpu.memory_space<vmem>> -> memref<1x64x128xf32, #tpu.memory_space<vmem>>
    %dma_start3A_43 = tpu.memref_squeeze %dma_start3A_42 : memref<1x64x128xf32, #tpu.memory_space<vmem>> -> memref<64x128xf32, #tpu.memory_space<vmem>>
    %dma_start3A_44 = arith.constant 0 : i32
    %dma_start3A_45 = tpu.memref_slice %arg5[%dma_start3A_38, %dma_start3A_44] : memref<100x64xi32, #tpu.memory_space<vmem>> -> memref<1x64xi32, #tpu.memory_space<vmem>>
    %dma_start3A_46 = tpu.memref_squeeze %dma_start3A_45 : memref<1x64xi32, #tpu.memory_space<vmem>> -> memref<64xi32, #tpu.memory_space<vmem>>
    %dma_start3A_47 = arith.constant 0 : i32
    %dma_start3A_48 = arith.constant 0 : i32
    %dma_start3A_49 = tpu.memref_slice %arg3[%dma_start3A_47, %dma_start3A_48] : memref<100000x128xf32, #tpu.memory_space<hbm>> -> memref<100000x128xf32, #tpu.memory_space<hbm>>
    tpu.enqueue_indirect_dma source(%dma_start3A_49 : memref<100000x128xf32, #tpu.memory_space<hbm>>) target(%dma_start3A_43 : memref<64x128xf32, #tpu.memory_space<vmem>>) offsets(%dma_start3A_46 : memref<64xi32, #tpu.memory_space<vmem>>) semaphore(%arg10 : memref<!tpu.dma_semaphore, #tpu.memory_space<semaphore_mem>>)
    %dma_start3A_50 = arith.constant 4 : i32
    %dma_start3A_51 = arith.constant 4 : i32
    %dma_start3A_52 = arith.constant 0 : i32
    %dma_start3A_53 = arith.constant 0 : i32
    %dma_start3A_54 = tpu.memref_slice %arg6[%dma_start3A_51, %dma_start3A_52, %dma_start3A_53] : memref<10x64x128xf32, #tpu.memory_space<vmem>> -> memref<1x64x128xf32, #tpu.memory_space<vmem>>
    %dma_start3A_55 = tpu.memref_squeeze %dma_start3A_54 : memref<1x64x128xf32, #tpu.memory_space<vmem>> -> memref<64x128xf32, #tpu.memory_space<vmem>>
    %dma_start3A_56 = arith.constant 0 : i32
    %dma_start3A_57 = tpu.memref_slice %arg5[%dma_start3A_50, %dma_start3A_56] : memref<100x64xi32, #tpu.memory_space<vmem>> -> memref<1x64xi32, #tpu.memory_space<vmem>>
    %dma_start3A_58 = tpu.memref_squeeze %dma_start3A_57 : memref<1x64xi32, #tpu.memory_space<vmem>> -> memref<64xi32, #tpu.memory_space<vmem>>
    %dma_start3A_59 = arith.constant 0 : i32
    %dma_start3A_60 = arith.constant 0 : i32
    %dma_start3A_61 = tpu.memref_slice %arg3[%dma_start3A_59, %dma_start3A_60] : memref<100000x128xf32, #tpu.memory_space<hbm>> -> memref<100000x128xf32, #tpu.memory_space<hbm>>
    tpu.enqueue_indirect_dma source(%dma_start3A_61 : memref<100000x128xf32, #tpu.memory_space<hbm>>) target(%dma_start3A_55 : memref<64x128xf32, #tpu.memory_space<vmem>>) offsets(%dma_start3A_58 : memref<64xi32, #tpu.memory_space<vmem>>) semaphore(%arg11 : memref<!tpu.dma_semaphore, #tpu.memory_space<semaphore_mem>>)
    %dma_start3A_62 = arith.constant 5 : i32
    %dma_start3A_63 = arith.constant 5 : i32
    %dma_start3A_64 = arith.constant 0 : i32
    %dma_start3A_65 = arith.constant 0 : i32
    %dma_start3A_66 = tpu.memref_slice %arg6[%dma_start3A_63, %dma_start3A_64, %dma_start3A_65] : memref<10x64x128xf32, #tpu.memory_space<vmem>> -> memref<1x64x128xf32, #tpu.memory_space<vmem>>
    %dma_start3A_67 = tpu.memref_squeeze %dma_start3A_66 : memref<1x64x128xf32, #tpu.memory_space<vmem>> -> memref<64x128xf32, #tpu.memory_space<vmem>>
    %dma_start3A_68 = arith.constant 0 : i32
    %dma_start3A_69 = tpu.memref_slice %arg5[%dma_start3A_62, %dma_start3A_68] : memref<100x64xi32, #tpu.memory_space<vmem>> -> memref<1x64xi32, #tpu.memory_space<vmem>>
    %dma_start3A_70 = tpu.memref_squeeze %dma_start3A_69 : memref<1x64xi32, #tpu.memory_space<vmem>> -> memref<64xi32, #tpu.memory_space<vmem>>
    %dma_start3A_71 = arith.constant 0 : i32
    %dma_start3A_72 = arith.constant 0 : i32
    %dma_start3A_73 = tpu.memref_slice %arg3[%dma_start3A_71, %dma_start3A_72] : memref<100000x128xf32, #tpu.memory_space<hbm>> -> memref<100000x128xf32, #tpu.memory_space<hbm>>
    tpu.enqueue_indirect_dma source(%dma_start3A_73 : memref<100000x128xf32, #tpu.memory_space<hbm>>) target(%dma_start3A_67 : memref<64x128xf32, #tpu.memory_space<vmem>>) offsets(%dma_start3A_70 : memref<64xi32, #tpu.memory_space<vmem>>) semaphore(%arg12 : memref<!tpu.dma_semaphore, #tpu.memory_space<semaphore_mem>>)
    %dma_start3A_74 = arith.constant 6 : i32
    %dma_start3A_75 = arith.constant 6 : i32
    %dma_start3A_76 = arith.constant 0 : i32
    %dma_start3A_77 = arith.constant 0 : i32
    %dma_start3A_78 = tpu.memref_slice %arg6[%dma_start3A_75, %dma_start3A_76, %dma_start3A_77] : memref<10x64x128xf32, #tpu.memory_space<vmem>> -> memref<1x64x128xf32, #tpu.memory_space<vmem>>
    %dma_start3A_79 = tpu.memref_squeeze %dma_start3A_78 : memref<1x64x128xf32, #tpu.memory_space<vmem>> -> memref<64x128xf32, #tpu.memory_space<vmem>>
    %dma_start3A_80 = arith.constant 0 : i32
    %dma_start3A_81 = tpu.memref_slice %arg5[%dma_start3A_74, %dma_start3A_80] : memref<100x64xi32, #tpu.memory_space<vmem>> -> memref<1x64xi32, #tpu.memory_space<vmem>>
    %dma_start3A_82 = tpu.memref_squeeze %dma_start3A_81 : memref<1x64xi32, #tpu.memory_space<vmem>> -> memref<64xi32, #tpu.memory_space<vmem>>
    %dma_start3A_83 = arith.constant 0 : i32
    %dma_start3A_84 = arith.constant 0 : i32
    %dma_start3A_85 = tpu.memref_slice %arg3[%dma_start3A_83, %dma_start3A_84] : memref<100000x128xf32, #tpu.memory_space<hbm>> -> memref<100000x128xf32, #tpu.memory_space<hbm>>
    tpu.enqueue_indirect_dma source(%dma_start3A_85 : memref<100000x128xf32, #tpu.memory_space<hbm>>) target(%dma_start3A_79 : memref<64x128xf32, #tpu.memory_space<vmem>>) offsets(%dma_start3A_82 : memref<64xi32, #tpu.memory_space<vmem>>) semaphore(%arg13 : memref<!tpu.dma_semaphore, #tpu.memory_space<semaphore_mem>>)
    %dma_start3A_86 = arith.constant 7 : i32
    %dma_start3A_87 = arith.constant 7 : i32
    %dma_start3A_88 = arith.constant 0 : i32
    %dma_start3A_89 = arith.constant 0 : i32
    %dma_start3A_90 = tpu.memref_slice %arg6[%dma_start3A_87, %dma_start3A_88, %dma_start3A_89] : memref<10x64x128xf32, #tpu.memory_space<vmem>> -> memref<1x64x128xf32, #tpu.memory_space<vmem>>
    %dma_start3A_91 = tpu.memref_squeeze %dma_start3A_90 : memref<1x64x128xf32, #tpu.memory_space<vmem>> -> memref<64x128xf32, #tpu.memory_space<vmem>>
    %dma_start3A_92 = arith.constant 0 : i32
    %dma_start3A_93 = tpu.memref_slice %arg5[%dma_start3A_86, %dma_start3A_92] : memref<100x64xi32, #tpu.memory_space<vmem>> -> memref<1x64xi32, #tpu.memory_space<vmem>>
    %dma_start3A_94 = tpu.memref_squeeze %dma_start3A_93 : memref<1x64xi32, #tpu.memory_space<vmem>> -> memref<64xi32, #tpu.memory_space<vmem>>
    %dma_start3A_95 = arith.constant 0 : i32
    %dma_start3A_96 = arith.constant 0 : i32
    %dma_start3A_97 = tpu.memref_slice %arg3[%dma_start3A_95, %dma_start3A_96] : memref<100000x128xf32, #tpu.memory_space<hbm>> -> memref<100000x128xf32, #tpu.memory_space<hbm>>
    tpu.enqueue_indirect_dma source(%dma_start3A_97 : memref<100000x128xf32, #tpu.memory_space<hbm>>) target(%dma_start3A_91 : memref<64x128xf32, #tpu.memory_space<vmem>>) offsets(%dma_start3A_94 : memref<64xi32, #tpu.memory_space<vmem>>) semaphore(%arg14 : memref<!tpu.dma_semaphore, #tpu.memory_space<semaphore_mem>>)
    %dma_start3A_98 = arith.constant 8 : i32
    %dma_start3A_99 = arith.constant 8 : i32
    %dma_start3A_100 = arith.constant 0 : i32
    %dma_start3A_101 = arith.constant 0 : i32
    %dma_start3A_102 = tpu.memref_slice %arg6[%dma_start3A_99, %dma_start3A_100, %dma_start3A_101] : memref<10x64x128xf32, #tpu.memory_space<vmem>> -> memref<1x64x128xf32, #tpu.memory_space<vmem>>
    %dma_start3A_103 = tpu.memref_squeeze %dma_start3A_102 : memref<1x64x128xf32, #tpu.memory_space<vmem>> -> memref<64x128xf32, #tpu.memory_space<vmem>>
    %dma_start3A_104 = arith.constant 0 : i32
    %dma_start3A_105 = tpu.memref_slice %arg5[%dma_start3A_98, %dma_start3A_104] : memref<100x64xi32, #tpu.memory_space<vmem>> -> memref<1x64xi32, #tpu.memory_space<vmem>>
    %dma_start3A_106 = tpu.memref_squeeze %dma_start3A_105 : memref<1x64xi32, #tpu.memory_space<vmem>> -> memref<64xi32, #tpu.memory_space<vmem>>
    %dma_start3A_107 = arith.constant 0 : i32
    %dma_start3A_108 = arith.constant 0 : i32
    %dma_start3A_109 = tpu.memref_slice %arg3[%dma_start3A_107, %dma_start3A_108] : memref<100000x128xf32, #tpu.memory_space<hbm>> -> memref<100000x128xf32, #tpu.memory_space<hbm>>
    tpu.enqueue_indirect_dma source(%dma_start3A_109 : memref<100000x128xf32, #tpu.memory_space<hbm>>) target(%dma_start3A_103 : memref<64x128xf32, #tpu.memory_space<vmem>>) offsets(%dma_start3A_106 : memref<64xi32, #tpu.memory_space<vmem>>) semaphore(%arg15 : memref<!tpu.dma_semaphore, #tpu.memory_space<semaphore_mem>>)
    %dma_start3A_110 = arith.constant 9 : i32
    %dma_start3A_111 = arith.constant 9 : i32
    %dma_start3A_112 = arith.constant 0 : i32
    %dma_start3A_113 = arith.constant 0 : i32
    %dma_start3A_114 = tpu.memref_slice %arg6[%dma_start3A_111, %dma_start3A_112, %dma_start3A_113] : memref<10x64x128xf32, #tpu.memory_space<vmem>> -> memref<1x64x128xf32, #tpu.memory_space<vmem>>
    %dma_start3A_115 = tpu.memref_squeeze %dma_start3A_114 : memref<1x64x128xf32, #tpu.memory_space<vmem>> -> memref<64x128xf32, #tpu.memory_space<vmem>>
    %dma_start3A_116 = arith.constant 0 : i32
    %dma_start3A_117 = tpu.memref_slice %arg5[%dma_start3A_110, %dma_start3A_116] : memref<100x64xi32, #tpu.memory_space<vmem>> -> memref<1x64xi32, #tpu.memory_space<vmem>>
    %dma_start3A_118 = tpu.memref_squeeze %dma_start3A_117 : memref<1x64xi32, #tpu.memory_space<vmem>> -> memref<64xi32, #tpu.memory_space<vmem>>
    %dma_start3A_119 = arith.constant 0 : i32
    %dma_start3A_120 = arith.constant 0 : i32
    %dma_start3A_121 = tpu.memref_slice %arg3[%dma_start3A_119, %dma_start3A_120] : memref<100000x128xf32, #tpu.memory_space<hbm>> -> memref<100000x128xf32, #tpu.memory_space<hbm>>
    tpu.enqueue_indirect_dma source(%dma_start3A_121 : memref<100000x128xf32, #tpu.memory_space<hbm>>) target(%dma_start3A_115 : memref<64x128xf32, #tpu.memory_space<vmem>>) offsets(%dma_start3A_118 : memref<64xi32, #tpu.memory_space<vmem>>) semaphore(%arg16 : memref<!tpu.dma_semaphore, #tpu.memory_space<semaphore_mem>>)
    %scan3A = arith.constant 0 : i32
    %scan3A_122 = arith.constant 0 : i32
    %scan3A_123 = arith.constant 10 : i32
    %scan3A_124 = arith.addi %scan3A_122, %scan3A_123 : i32
    %scan3A_125 = arith.constant 1 : i32
    scf.for %scan3A_286 = %scan3A_122 to %scan3A_124 step %scan3A_125  : i32 {
      %mul3A_287 = arith.constant 10 : i32
      %mul3A_288 = arith.muli %scan3A_286, %mul3A_287 : i32
      %add3A_289 = arith.constant 0 : i32
      %add3A_290 = arith.addi %mul3A_288, %add3A_289 : i32
      %dma_wait3A_291 = arith.constant 0 : i32
      %dma_wait3A_292 = arith.constant 0 : i32
      %dma_wait3A_293 = arith.constant 0 : i32
      %dma_wait3A_294 = tpu.memref_slice %arg6[%dma_wait3A_291, %dma_wait3A_292, %dma_wait3A_293] : memref<10x64x128xf32, #tpu.memory_space<vmem>> -> memref<1x64x128xf32, #tpu.memory_space<vmem>>
      %dma_wait3A_295 = tpu.memref_squeeze %dma_wait3A_294 : memref<1x64x128xf32, #tpu.memory_space<vmem>> -> memref<64x128xf32, #tpu.memory_space<vmem>>
      %dma_wait3A_296 = arith.constant 0 : i32
      %dma_wait3A_297 = tpu.memref_slice %arg5[%add3A_290, %dma_wait3A_296] : memref<100x64xi32, #tpu.memory_space<vmem>> -> memref<1x64xi32, #tpu.memory_space<vmem>>
      %dma_wait3A_298 = tpu.memref_squeeze %dma_wait3A_297 : memref<1x64xi32, #tpu.memory_space<vmem>> -> memref<64xi32, #tpu.memory_space<vmem>>
      %dma_wait3A_299 = arith.constant 0 : i32
      %dma_wait3A_300 = arith.constant 0 : i32
      %dma_wait3A_301 = tpu.memref_slice %arg3[%dma_wait3A_299, %dma_wait3A_300] : memref<100000x128xf32, #tpu.memory_space<hbm>> -> memref<100000x128xf32, #tpu.memory_space<hbm>>
      tpu.wait_indirect_dma semaphore(%arg7 : memref<!tpu.dma_semaphore, #tpu.memory_space<semaphore_mem>>) src(%dma_wait3A_301 : memref<100000x128xf32, #tpu.memory_space<hbm>>) dst(%dma_wait3A_295 : memref<64x128xf32, #tpu.memory_space<vmem>>)
      %jit3A = arith.constant 2 : i32
      %div3A = arith.divsi %add3A_290, %jit3A : i32
      %sign3A = arith.constant 0 : i32
      %sign3A_302 = arith.cmpi sgt, %add3A_290, %sign3A : i32
      %sign3A_303 = arith.extui %sign3A_302 : i1 to i32
      %sign3A_304 = arith.constant 0 : i32
      %sign3A_305 = arith.cmpi slt, %add3A_290, %sign3A_304 : i32
      %sign3A_306 = arith.extui %sign3A_305 : i1 to i32
      %sign3A_307 = arith.subi %sign3A_303, %sign3A_306 : i32
      %sign3A_308 = arith.constant 0 : i32
      %sign3A_309 = arith.cmpi sgt, %jit3A, %sign3A_308 : i32
      %sign3A_310 = arith.extui %sign3A_309 : i1 to i32
      %sign3A_311 = arith.constant 0 : i32
      %sign3A_312 = arith.cmpi slt, %jit3A, %sign3A_311 : i32
      %sign3A_313 = arith.extui %sign3A_312 : i1 to i32
      %sign3A_314 = arith.subi %sign3A_310, %sign3A_313 : i32
      %ne3A = arith.cmpi ne, %sign3A_307, %sign3A_314 : i32
      %rem3A = arith.remsi %add3A_290, %jit3A : i32
      %ne3A_315 = arith.constant 0 : i32
      %ne3A_316 = arith.cmpi ne, %rem3A, %ne3A_315 : i32
      %and3A = arith.andi %ne3A, %ne3A_316 : i1
      %sub3A = arith.constant 1 : i32
      %sub3A_317 = arith.subi %div3A, %sub3A : i32
      %select_n3A = arith.select %and3A, %sub3A_317, %div3A : i32
      %jit3A_318 = arith.constant 2 : i32
      %eq3A = arith.constant 0 : i32
      %eq3A_319 = arith.cmpi eq, %jit3A_318, %eq3A : i32
      %jit3A_320 = arith.constant 1 : i32
      %select_n3A_321 = arith.select %eq3A_319, %jit3A_320, %jit3A_318 : i32
      %rem3A_322 = arith.remsi %add3A_290, %select_n3A_321 : i32
      %ne3A_323 = arith.constant 0 : i32
      %ne3A_324 = arith.cmpi ne, %rem3A_322, %ne3A_323 : i32
      %lt3A = arith.constant 0 : i32
      %lt3A_325 = arith.cmpi slt, %rem3A_322, %lt3A : i32
      %lt3A_326 = arith.constant 0 : i32
      %lt3A_327 = arith.cmpi slt, %select_n3A_321, %lt3A_326 : i32
      %ne3A_328 = arith.xori %lt3A_325, %lt3A_327 : i1
      %and3A_329 = arith.andi %ne3A_328, %ne3A_324 : i1
      %add3A_330 = arith.addi %rem3A_322, %select_n3A_321 : i32
      %select_n3A_331 = arith.select %and3A_329, %add3A_330, %rem3A_322 : i32
      %mul3A_332 = arith.constant 64 : i32
      %mul3A_333 = arith.muli %select_n3A_331, %mul3A_332 : i32
      %add3A_334 = arith.addi %mul3A_2, %mul3A_333 : i32
      %dma_start3A_335 = arith.constant 0 : i32
      %dma_start3A_336 = arith.constant 0 : i32
      %dma_start3A_337 = arith.constant 0 : i32
      %dma_start3A_338 = tpu.memref_slice %arg6[%dma_start3A_335, %dma_start3A_336, %dma_start3A_337] : memref<10x64x128xf32, #tpu.memory_space<vmem>> -> memref<1x64x128xf32, #tpu.memory_space<vmem>>
      %dma_start3A_339 = tpu.memref_squeeze %dma_start3A_338 : memref<1x64x128xf32, #tpu.memory_space<vmem>> -> memref<64x128xf32, #tpu.memory_space<vmem>>
      %dma_start3A_340 = arith.constant 0 : i32
      %dma_start3A_341 = tpu.memref_slice %arg4[%select_n3A, %add3A_334, %dma_start3A_340] : memref<50x4096x128xf32, #tpu.memory_space<hbm>> -> memref<1x64x128xf32, #tpu.memory_space<hbm>>
      %dma_start3A_342 = tpu.memref_squeeze %dma_start3A_341 : memref<1x64x128xf32, #tpu.memory_space<hbm>> -> memref<64x128xf32, #tpu.memory_space<hbm>>
      %dma_start3A_343 = arith.constant 0 : i32
      %dma_start3A_344 = tpu.memref_slice %arg4[%select_n3A, %add3A_334, %dma_start3A_343] : memref<50x4096x128xf32, #tpu.memory_space<hbm>> -> memref<1x64x128xf32, #tpu.memory_space<hbm>>
      %dma_start3A_345 = tpu.memref_squeeze %dma_start3A_344 : memref<1x64x128xf32, #tpu.memory_space<hbm>> -> memref<64x128xf32, #tpu.memory_space<hbm>>
      %dma_start3A_346 = arith.constant 0 : i32
      %dma_start3A_347 = arith.constant 0 : i32
      %dma_start3A_348 = tpu.memref_slice %arg6[%dma_start3A_335, %dma_start3A_346, %dma_start3A_347] : memref<10x64x128xf32, #tpu.memory_space<vmem>> -> memref<1x64x128xf32, #tpu.memory_space<vmem>>
      %dma_start3A_349 = tpu.memref_squeeze %dma_start3A_348 : memref<1x64x128xf32, #tpu.memory_space<vmem>> -> memref<64x128xf32, #tpu.memory_space<vmem>>
      tpu.enqueue_dma source(%dma_start3A_349 : memref<64x128xf32, #tpu.memory_space<vmem>>) target(%dma_start3A_345 : memref<64x128xf32, #tpu.memory_space<hbm>>) target_semaphore(%arg17 : memref<!tpu.dma_semaphore, #tpu.memory_space<semaphore_mem>>)
      %mul3A_350 = arith.constant 10 : i32
      %mul3A_351 = arith.muli %scan3A_286, %mul3A_350 : i32
      %add3A_352 = arith.constant 1 : i32
      %add3A_353 = arith.addi %mul3A_351, %add3A_352 : i32
      %dma_wait3A_354 = arith.constant 1 : i32
      %dma_wait3A_355 = arith.constant 0 : i32
      %dma_wait3A_356 = arith.constant 0 : i32
      %dma_wait3A_357 = tpu.memref_slice %arg6[%dma_wait3A_354, %dma_wait3A_355, %dma_wait3A_356] : memref<10x64x128xf32, #tpu.memory_space<vmem>> -> memref<1x64x128xf32, #tpu.memory_space<vmem>>
      %dma_wait3A_358 = tpu.memref_squeeze %dma_wait3A_357 : memref<1x64x128xf32, #tpu.memory_space<vmem>> -> memref<64x128xf32, #tpu.memory_space<vmem>>
      %dma_wait3A_359 = arith.constant 0 : i32
      %dma_wait3A_360 = tpu.memref_slice %arg5[%add3A_353, %dma_wait3A_359] : memref<100x64xi32, #tpu.memory_space<vmem>> -> memref<1x64xi32, #tpu.memory_space<vmem>>
      %dma_wait3A_361 = tpu.memref_squeeze %dma_wait3A_360 : memref<1x64xi32, #tpu.memory_space<vmem>> -> memref<64xi32, #tpu.memory_space<vmem>>
      %dma_wait3A_362 = arith.constant 0 : i32
      %dma_wait3A_363 = arith.constant 0 : i32
      %dma_wait3A_364 = tpu.memref_slice %arg3[%dma_wait3A_362, %dma_wait3A_363] : memref<100000x128xf32, #tpu.memory_space<hbm>> -> memref<100000x128xf32, #tpu.memory_space<hbm>>
      tpu.wait_indirect_dma semaphore(%arg8 : memref<!tpu.dma_semaphore, #tpu.memory_space<semaphore_mem>>) src(%dma_wait3A_364 : memref<100000x128xf32, #tpu.memory_space<hbm>>) dst(%dma_wait3A_358 : memref<64x128xf32, #tpu.memory_space<vmem>>)
      %jit3A_365 = arith.constant 2 : i32
      %div3A_366 = arith.divsi %add3A_353, %jit3A_365 : i32
      %sign3A_367 = arith.constant 0 : i32
      %sign3A_368 = arith.cmpi sgt, %add3A_353, %sign3A_367 : i32
      %sign3A_369 = arith.extui %sign3A_368 : i1 to i32
      %sign3A_370 = arith.constant 0 : i32
      %sign3A_371 = arith.cmpi slt, %add3A_353, %sign3A_370 : i32
      %sign3A_372 = arith.extui %sign3A_371 : i1 to i32
      %sign3A_373 = arith.subi %sign3A_369, %sign3A_372 : i32
      %sign3A_374 = arith.constant 0 : i32
      %sign3A_375 = arith.cmpi sgt, %jit3A_365, %sign3A_374 : i32
      %sign3A_376 = arith.extui %sign3A_375 : i1 to i32
      %sign3A_377 = arith.constant 0 : i32
      %sign3A_378 = arith.cmpi slt, %jit3A_365, %sign3A_377 : i32
      %sign3A_379 = arith.extui %sign3A_378 : i1 to i32
      %sign3A_380 = arith.subi %sign3A_376, %sign3A_379 : i32
      %ne3A_381 = arith.cmpi ne, %sign3A_373, %sign3A_380 : i32
      %rem3A_382 = arith.remsi %add3A_353, %jit3A_365 : i32
      %ne3A_383 = arith.constant 0 : i32
      %ne3A_384 = arith.cmpi ne, %rem3A_382, %ne3A_383 : i32
      %and3A_385 = arith.andi %ne3A_381, %ne3A_384 : i1
      %sub3A_386 = arith.constant 1 : i32
      %sub3A_387 = arith.subi %div3A_366, %sub3A_386 : i32
      %select_n3A_388 = arith.select %and3A_385, %sub3A_387, %div3A_366 : i32
      %jit3A_389 = arith.constant 2 : i32
      %eq3A_390 = arith.constant 0 : i32
      %eq3A_391 = arith.cmpi eq, %jit3A_389, %eq3A_390 : i32
      %jit3A_392 = arith.constant 1 : i32
      %select_n3A_393 = arith.select %eq3A_391, %jit3A_392, %jit3A_389 : i32
      %rem3A_394 = arith.remsi %add3A_353, %select_n3A_393 : i32
      %ne3A_395 = arith.constant 0 : i32
      %ne3A_396 = arith.cmpi ne, %rem3A_394, %ne3A_395 : i32
      %lt3A_397 = arith.constant 0 : i32
      %lt3A_398 = arith.cmpi slt, %rem3A_394, %lt3A_397 : i32
      %lt3A_399 = arith.constant 0 : i32
      %lt3A_400 = arith.cmpi slt, %select_n3A_393, %lt3A_399 : i32
      %ne3A_401 = arith.xori %lt3A_398, %lt3A_400 : i1
      %and3A_402 = arith.andi %ne3A_401, %ne3A_396 : i1
      %add3A_403 = arith.addi %rem3A_394, %select_n3A_393 : i32
      %select_n3A_404 = arith.select %and3A_402, %add3A_403, %rem3A_394 : i32
      %mul3A_405 = arith.constant 64 : i32
      %mul3A_406 = arith.muli %select_n3A_404, %mul3A_405 : i32
      %add3A_407 = arith.addi %mul3A_2, %mul3A_406 : i32
      %dma_start3A_408 = arith.constant 1 : i32
      %dma_start3A_409 = arith.constant 0 : i32
      %dma_start3A_410 = arith.constant 0 : i32
      %dma_start3A_411 = tpu.memref_slice %arg6[%dma_start3A_408, %dma_start3A_409, %dma_start3A_410] : memref<10x64x128xf32, #tpu.memory_space<vmem>> -> memref<1x64x128xf32, #tpu.memory_space<vmem>>
      %dma_start3A_412 = tpu.memref_squeeze %dma_start3A_411 : memref<1x64x128xf32, #tpu.memory_space<vmem>> -> memref<64x128xf32, #tpu.memory_space<vmem>>
      %dma_start3A_413 = arith.constant 0 : i32
      %dma_start3A_414 = tpu.memref_slice %arg4[%select_n3A_388, %add3A_407, %dma_start3A_413] : memref<50x4096x128xf32, #tpu.memory_space<hbm>> -> memref<1x64x128xf32, #tpu.memory_space<hbm>>
      %dma_start3A_415 = tpu.memref_squeeze %dma_start3A_414 : memref<1x64x128xf32, #tpu.memory_space<hbm>> -> memref<64x128xf32, #tpu.memory_space<hbm>>
      %dma_start3A_416 = arith.constant 0 : i32
      %dma_start3A_417 = tpu.memref_slice %arg4[%select_n3A_388, %add3A_407, %dma_start3A_416] : memref<50x4096x128xf32, #tpu.memory_space<hbm>> -> memref<1x64x128xf32, #tpu.memory_space<hbm>>
      %dma_start3A_418 = tpu.memref_squeeze %dma_start3A_417 : memref<1x64x128xf32, #tpu.memory_space<hbm>> -> memref<64x128xf32, #tpu.memory_space<hbm>>
      %dma_start3A_419 = arith.constant 0 : i32
      %dma_start3A_420 = arith.constant 0 : i32
      %dma_start3A_421 = tpu.memref_slice %arg6[%dma_start3A_408, %dma_start3A_419, %dma_start3A_420] : memref<10x64x128xf32, #tpu.memory_space<vmem>> -> memref<1x64x128xf32, #tpu.memory_space<vmem>>
      %dma_start3A_422 = tpu.memref_squeeze %dma_start3A_421 : memref<1x64x128xf32, #tpu.memory_space<vmem>> -> memref<64x128xf32, #tpu.memory_space<vmem>>
      tpu.enqueue_dma source(%dma_start3A_422 : memref<64x128xf32, #tpu.memory_space<vmem>>) target(%dma_start3A_418 : memref<64x128xf32, #tpu.memory_space<hbm>>) target_semaphore(%arg18 : memref<!tpu.dma_semaphore, #tpu.memory_space<semaphore_mem>>)
      %mul3A_423 = arith.constant 10 : i32
      %mul3A_424 = arith.muli %scan3A_286, %mul3A_423 : i32
      %add3A_425 = arith.constant 2 : i32
      %add3A_426 = arith.addi %mul3A_424, %add3A_425 : i32
      %dma_wait3A_427 = arith.constant 2 : i32
      %dma_wait3A_428 = arith.constant 0 : i32
      %dma_wait3A_429 = arith.constant 0 : i32
      %dma_wait3A_430 = tpu.memref_slice %arg6[%dma_wait3A_427, %dma_wait3A_428, %dma_wait3A_429] : memref<10x64x128xf32, #tpu.memory_space<vmem>> -> memref<1x64x128xf32, #tpu.memory_space<vmem>>
      %dma_wait3A_431 = tpu.memref_squeeze %dma_wait3A_430 : memref<1x64x128xf32, #tpu.memory_space<vmem>> -> memref<64x128xf32, #tpu.memory_space<vmem>>
      %dma_wait3A_432 = arith.constant 0 : i32
      %dma_wait3A_433 = tpu.memref_slice %arg5[%add3A_426, %dma_wait3A_432] : memref<100x64xi32, #tpu.memory_space<vmem>> -> memref<1x64xi32, #tpu.memory_space<vmem>>
      %dma_wait3A_434 = tpu.memref_squeeze %dma_wait3A_433 : memref<1x64xi32, #tpu.memory_space<vmem>> -> memref<64xi32, #tpu.memory_space<vmem>>
      %dma_wait3A_435 = arith.constant 0 : i32
      %dma_wait3A_436 = arith.constant 0 : i32
      %dma_wait3A_437 = tpu.memref_slice %arg3[%dma_wait3A_435, %dma_wait3A_436] : memref<100000x128xf32, #tpu.memory_space<hbm>> -> memref<100000x128xf32, #tpu.memory_space<hbm>>
      tpu.wait_indirect_dma semaphore(%arg9 : memref<!tpu.dma_semaphore, #tpu.memory_space<semaphore_mem>>) src(%dma_wait3A_437 : memref<100000x128xf32, #tpu.memory_space<hbm>>) dst(%dma_wait3A_431 : memref<64x128xf32, #tpu.memory_space<vmem>>)
      %jit3A_438 = arith.constant 2 : i32
      %div3A_439 = arith.divsi %add3A_426, %jit3A_438 : i32
      %sign3A_440 = arith.constant 0 : i32
      %sign3A_441 = arith.cmpi sgt, %add3A_426, %sign3A_440 : i32
      %sign3A_442 = arith.extui %sign3A_441 : i1 to i32
      %sign3A_443 = arith.constant 0 : i32
      %sign3A_444 = arith.cmpi slt, %add3A_426, %sign3A_443 : i32
      %sign3A_445 = arith.extui %sign3A_444 : i1 to i32
      %sign3A_446 = arith.subi %sign3A_442, %sign3A_445 : i32
      %sign3A_447 = arith.constant 0 : i32
      %sign3A_448 = arith.cmpi sgt, %jit3A_438, %sign3A_447 : i32
      %sign3A_449 = arith.extui %sign3A_448 : i1 to i32
      %sign3A_450 = arith.constant 0 : i32
      %sign3A_451 = arith.cmpi slt, %jit3A_438, %sign3A_450 : i32
      %sign3A_452 = arith.extui %sign3A_451 : i1 to i32
      %sign3A_453 = arith.subi %sign3A_449, %sign3A_452 : i32
      %ne3A_454 = arith.cmpi ne, %sign3A_446, %sign3A_453 : i32
      %rem3A_455 = arith.remsi %add3A_426, %jit3A_438 : i32
      %ne3A_456 = arith.constant 0 : i32
      %ne3A_457 = arith.cmpi ne, %rem3A_455, %ne3A_456 : i32
      %and3A_458 = arith.andi %ne3A_454, %ne3A_457 : i1
      %sub3A_459 = arith.constant 1 : i32
      %sub3A_460 = arith.subi %div3A_439, %sub3A_459 : i32
      %select_n3A_461 = arith.select %and3A_458, %sub3A_460, %div3A_439 : i32
      %jit3A_462 = arith.constant 2 : i32
      %eq3A_463 = arith.constant 0 : i32
      %eq3A_464 = arith.cmpi eq, %jit3A_462, %eq3A_463 : i32
      %jit3A_465 = arith.constant 1 : i32
      %select_n3A_466 = arith.select %eq3A_464, %jit3A_465, %jit3A_462 : i32
      %rem3A_467 = arith.remsi %add3A_426, %select_n3A_466 : i32
      %ne3A_468 = arith.constant 0 : i32
      %ne3A_469 = arith.cmpi ne, %rem3A_467, %ne3A_468 : i32
      %lt3A_470 = arith.constant 0 : i32
      %lt3A_471 = arith.cmpi slt, %rem3A_467, %lt3A_470 : i32
      %lt3A_472 = arith.constant 0 : i32
      %lt3A_473 = arith.cmpi slt, %select_n3A_466, %lt3A_472 : i32
      %ne3A_474 = arith.xori %lt3A_471, %lt3A_473 : i1
      %and3A_475 = arith.andi %ne3A_474, %ne3A_469 : i1
      %add3A_476 = arith.addi %rem3A_467, %select_n3A_466 : i32
      %select_n3A_477 = arith.select %and3A_475, %add3A_476, %rem3A_467 : i32
      %mul3A_478 = arith.constant 64 : i32
      %mul3A_479 = arith.muli %select_n3A_477, %mul3A_478 : i32
      %add3A_480 = arith.addi %mul3A_2, %mul3A_479 : i32
      %dma_start3A_481 = arith.constant 2 : i32
      %dma_start3A_482 = arith.constant 0 : i32
      %dma_start3A_483 = arith.constant 0 : i32
      %dma_start3A_484 = tpu.memref_slice %arg6[%dma_start3A_481, %dma_start3A_482, %dma_start3A_483] : memref<10x64x128xf32, #tpu.memory_space<vmem>> -> memref<1x64x128xf32, #tpu.memory_space<vmem>>
      %dma_start3A_485 = tpu.memref_squeeze %dma_start3A_484 : memref<1x64x128xf32, #tpu.memory_space<vmem>> -> memref<64x128xf32, #tpu.memory_space<vmem>>
      %dma_start3A_486 = arith.constant 0 : i32
      %dma_start3A_487 = tpu.memref_slice %arg4[%select_n3A_461, %add3A_480, %dma_start3A_486] : memref<50x4096x128xf32, #tpu.memory_space<hbm>> -> memref<1x64x128xf32, #tpu.memory_space<hbm>>
      %dma_start3A_488 = tpu.memref_squeeze %dma_start3A_487 : memref<1x64x128xf32, #tpu.memory_space<hbm>> -> memref<64x128xf32, #tpu.memory_space<hbm>>
      %dma_start3A_489 = arith.constant 0 : i32
      %dma_start3A_490 = tpu.memref_slice %arg4[%select_n3A_461, %add3A_480, %dma_start3A_489] : memref<50x4096x128xf32, #tpu.memory_space<hbm>> -> memref<1x64x128xf32, #tpu.memory_space<hbm>>
      %dma_start3A_491 = tpu.memref_squeeze %dma_start3A_490 : memref<1x64x128xf32, #tpu.memory_space<hbm>> -> memref<64x128xf32, #tpu.memory_space<hbm>>
      %dma_start3A_492 = arith.constant 0 : i32
      %dma_start3A_493 = arith.constant 0 : i32
      %dma_start3A_494 = tpu.memref_slice %arg6[%dma_start3A_481, %dma_start3A_492, %dma_start3A_493] : memref<10x64x128xf32, #tpu.memory_space<vmem>> -> memref<1x64x128xf32, #tpu.memory_space<vmem>>
      %dma_start3A_495 = tpu.memref_squeeze %dma_start3A_494 : memref<1x64x128xf32, #tpu.memory_space<vmem>> -> memref<64x128xf32, #tpu.memory_space<vmem>>
      tpu.enqueue_dma source(%dma_start3A_495 : memref<64x128xf32, #tpu.memory_space<vmem>>) target(%dma_start3A_491 : memref<64x128xf32, #tpu.memory_space<hbm>>) target_semaphore(%arg19 : memref<!tpu.dma_semaphore, #tpu.memory_space<semaphore_mem>>)
      %mul3A_496 = arith.constant 10 : i32
      %mul3A_497 = arith.muli %scan3A_286, %mul3A_496 : i32
      %add3A_498 = arith.constant 3 : i32
      %add3A_499 = arith.addi %mul3A_497, %add3A_498 : i32
      %dma_wait3A_500 = arith.constant 3 : i32
      %dma_wait3A_501 = arith.constant 0 : i32
      %dma_wait3A_502 = arith.constant 0 : i32
      %dma_wait3A_503 = tpu.memref_slice %arg6[%dma_wait3A_500, %dma_wait3A_501, %dma_wait3A_502] : memref<10x64x128xf32, #tpu.memory_space<vmem>> -> memref<1x64x128xf32, #tpu.memory_space<vmem>>
      %dma_wait3A_504 = tpu.memref_squeeze %dma_wait3A_503 : memref<1x64x128xf32, #tpu.memory_space<vmem>> -> memref<64x128xf32, #tpu.memory_space<vmem>>
      %dma_wait3A_505 = arith.constant 0 : i32
      %dma_wait3A_506 = tpu.memref_slice %arg5[%add3A_499, %dma_wait3A_505] : memref<100x64xi32, #tpu.memory_space<vmem>> -> memref<1x64xi32, #tpu.memory_space<vmem>>
      %dma_wait3A_507 = tpu.memref_squeeze %dma_wait3A_506 : memref<1x64xi32, #tpu.memory_space<vmem>> -> memref<64xi32, #tpu.memory_space<vmem>>
      %dma_wait3A_508 = arith.constant 0 : i32
      %dma_wait3A_509 = arith.constant 0 : i32
      %dma_wait3A_510 = tpu.memref_slice %arg3[%dma_wait3A_508, %dma_wait3A_509] : memref<100000x128xf32, #tpu.memory_space<hbm>> -> memref<100000x128xf32, #tpu.memory_space<hbm>>
      tpu.wait_indirect_dma semaphore(%arg10 : memref<!tpu.dma_semaphore, #tpu.memory_space<semaphore_mem>>) src(%dma_wait3A_510 : memref<100000x128xf32, #tpu.memory_space<hbm>>) dst(%dma_wait3A_504 : memref<64x128xf32, #tpu.memory_space<vmem>>)
      %jit3A_511 = arith.constant 2 : i32
      %div3A_512 = arith.divsi %add3A_499, %jit3A_511 : i32
      %sign3A_513 = arith.constant 0 : i32
      %sign3A_514 = arith.cmpi sgt, %add3A_499, %sign3A_513 : i32
      %sign3A_515 = arith.extui %sign3A_514 : i1 to i32
      %sign3A_516 = arith.constant 0 : i32
      %sign3A_517 = arith.cmpi slt, %add3A_499, %sign3A_516 : i32
      %sign3A_518 = arith.extui %sign3A_517 : i1 to i32
      %sign3A_519 = arith.subi %sign3A_515, %sign3A_518 : i32
      %sign3A_520 = arith.constant 0 : i32
      %sign3A_521 = arith.cmpi sgt, %jit3A_511, %sign3A_520 : i32
      %sign3A_522 = arith.extui %sign3A_521 : i1 to i32
      %sign3A_523 = arith.constant 0 : i32
      %sign3A_524 = arith.cmpi slt, %jit3A_511, %sign3A_523 : i32
      %sign3A_525 = arith.extui %sign3A_524 : i1 to i32
      %sign3A_526 = arith.subi %sign3A_522, %sign3A_525 : i32
      %ne3A_527 = arith.cmpi ne, %sign3A_519, %sign3A_526 : i32
      %rem3A_528 = arith.remsi %add3A_499, %jit3A_511 : i32
      %ne3A_529 = arith.constant 0 : i32
      %ne3A_530 = arith.cmpi ne, %rem3A_528, %ne3A_529 : i32
      %and3A_531 = arith.andi %ne3A_527, %ne3A_530 : i1
      %sub3A_532 = arith.constant 1 : i32
      %sub3A_533 = arith.subi %div3A_512, %sub3A_532 : i32
      %select_n3A_534 = arith.select %and3A_531, %sub3A_533, %div3A_512 : i32
      %jit3A_535 = arith.constant 2 : i32
      %eq3A_536 = arith.constant 0 : i32
      %eq3A_537 = arith.cmpi eq, %jit3A_535, %eq3A_536 : i32
      %jit3A_538 = arith.constant 1 : i32
      %select_n3A_539 = arith.select %eq3A_537, %jit3A_538, %jit3A_535 : i32
      %rem3A_540 = arith.remsi %add3A_499, %select_n3A_539 : i32
      %ne3A_541 = arith.constant 0 : i32
      %ne3A_542 = arith.cmpi ne, %rem3A_540, %ne3A_541 : i32
      %lt3A_543 = arith.constant 0 : i32
      %lt3A_544 = arith.cmpi slt, %rem3A_540, %lt3A_543 : i32
      %lt3A_545 = arith.constant 0 : i32
      %lt3A_546 = arith.cmpi slt, %select_n3A_539, %lt3A_545 : i32
      %ne3A_547 = arith.xori %lt3A_544, %lt3A_546 : i1
      %and3A_548 = arith.andi %ne3A_547, %ne3A_542 : i1
      %add3A_549 = arith.addi %rem3A_540, %select_n3A_539 : i32
      %select_n3A_550 = arith.select %and3A_548, %add3A_549, %rem3A_540 : i32
      %mul3A_551 = arith.constant 64 : i32
      %mul3A_552 = arith.muli %select_n3A_550, %mul3A_551 : i32
      %add3A_553 = arith.addi %mul3A_2, %mul3A_552 : i32
      %dma_start3A_554 = arith.constant 3 : i32
      %dma_start3A_555 = arith.constant 0 : i32
      %dma_start3A_556 = arith.constant 0 : i32
      %dma_start3A_557 = tpu.memref_slice %arg6[%dma_start3A_554, %dma_start3A_555, %dma_start3A_556] : memref<10x64x128xf32, #tpu.memory_space<vmem>> -> memref<1x64x128xf32, #tpu.memory_space<vmem>>
      %dma_start3A_558 = tpu.memref_squeeze %dma_start3A_557 : memref<1x64x128xf32, #tpu.memory_space<vmem>> -> memref<64x128xf32, #tpu.memory_space<vmem>>
      %dma_start3A_559 = arith.constant 0 : i32
      %dma_start3A_560 = tpu.memref_slice %arg4[%select_n3A_534, %add3A_553, %dma_start3A_559] : memref<50x4096x128xf32, #tpu.memory_space<hbm>> -> memref<1x64x128xf32, #tpu.memory_space<hbm>>
      %dma_start3A_561 = tpu.memref_squeeze %dma_start3A_560 : memref<1x64x128xf32, #tpu.memory_space<hbm>> -> memref<64x128xf32, #tpu.memory_space<hbm>>
      %dma_start3A_562 = arith.constant 0 : i32
      %dma_start3A_563 = tpu.memref_slice %arg4[%select_n3A_534, %add3A_553, %dma_start3A_562] : memref<50x4096x128xf32, #tpu.memory_space<hbm>> -> memref<1x64x128xf32, #tpu.memory_space<hbm>>
      %dma_start3A_564 = tpu.memref_squeeze %dma_start3A_563 : memref<1x64x128xf32, #tpu.memory_space<hbm>> -> memref<64x128xf32, #tpu.memory_space<hbm>>
      %dma_start3A_565 = arith.constant 0 : i32
      %dma_start3A_566 = arith.constant 0 : i32
      %dma_start3A_567 = tpu.memref_slice %arg6[%dma_start3A_554, %dma_start3A_565, %dma_start3A_566] : memref<10x64x128xf32, #tpu.memory_space<vmem>> -> memref<1x64x128xf32, #tpu.memory_space<vmem>>
      %dma_start3A_568 = tpu.memref_squeeze %dma_start3A_567 : memref<1x64x128xf32, #tpu.memory_space<vmem>> -> memref<64x128xf32, #tpu.memory_space<vmem>>
      tpu.enqueue_dma source(%dma_start3A_568 : memref<64x128xf32, #tpu.memory_space<vmem>>) target(%dma_start3A_564 : memref<64x128xf32, #tpu.memory_space<hbm>>) target_semaphore(%arg20 : memref<!tpu.dma_semaphore, #tpu.memory_space<semaphore_mem>>)
      %mul3A_569 = arith.constant 10 : i32
      %mul3A_570 = arith.muli %scan3A_286, %mul3A_569 : i32
      %add3A_571 = arith.constant 4 : i32
      %add3A_572 = arith.addi %mul3A_570, %add3A_571 : i32
      %dma_wait3A_573 = arith.constant 4 : i32
      %dma_wait3A_574 = arith.constant 0 : i32
      %dma_wait3A_575 = arith.constant 0 : i32
      %dma_wait3A_576 = tpu.memref_slice %arg6[%dma_wait3A_573, %dma_wait3A_574, %dma_wait3A_575] : memref<10x64x128xf32, #tpu.memory_space<vmem>> -> memref<1x64x128xf32, #tpu.memory_space<vmem>>
      %dma_wait3A_577 = tpu.memref_squeeze %dma_wait3A_576 : memref<1x64x128xf32, #tpu.memory_space<vmem>> -> memref<64x128xf32, #tpu.memory_space<vmem>>
      %dma_wait3A_578 = arith.constant 0 : i32
      %dma_wait3A_579 = tpu.memref_slice %arg5[%add3A_572, %dma_wait3A_578] : memref<100x64xi32, #tpu.memory_space<vmem>> -> memref<1x64xi32, #tpu.memory_space<vmem>>
      %dma_wait3A_580 = tpu.memref_squeeze %dma_wait3A_579 : memref<1x64xi32, #tpu.memory_space<vmem>> -> memref<64xi32, #tpu.memory_space<vmem>>
      %dma_wait3A_581 = arith.constant 0 : i32
      %dma_wait3A_582 = arith.constant 0 : i32
      %dma_wait3A_583 = tpu.memref_slice %arg3[%dma_wait3A_581, %dma_wait3A_582] : memref<100000x128xf32, #tpu.memory_space<hbm>> -> memref<100000x128xf32, #tpu.memory_space<hbm>>
      tpu.wait_indirect_dma semaphore(%arg11 : memref<!tpu.dma_semaphore, #tpu.memory_space<semaphore_mem>>) src(%dma_wait3A_583 : memref<100000x128xf32, #tpu.memory_space<hbm>>) dst(%dma_wait3A_577 : memref<64x128xf32, #tpu.memory_space<vmem>>)
      %jit3A_584 = arith.constant 2 : i32
      %div3A_585 = arith.divsi %add3A_572, %jit3A_584 : i32
      %sign3A_586 = arith.constant 0 : i32
      %sign3A_587 = arith.cmpi sgt, %add3A_572, %sign3A_586 : i32
      %sign3A_588 = arith.extui %sign3A_587 : i1 to i32
      %sign3A_589 = arith.constant 0 : i32
      %sign3A_590 = arith.cmpi slt, %add3A_572, %sign3A_589 : i32
      %sign3A_591 = arith.extui %sign3A_590 : i1 to i32
      %sign3A_592 = arith.subi %sign3A_588, %sign3A_591 : i32
      %sign3A_593 = arith.constant 0 : i32
      %sign3A_594 = arith.cmpi sgt, %jit3A_584, %sign3A_593 : i32
      %sign3A_595 = arith.extui %sign3A_594 : i1 to i32
      %sign3A_596 = arith.constant 0 : i32
      %sign3A_597 = arith.cmpi slt, %jit3A_584, %sign3A_596 : i32
      %sign3A_598 = arith.extui %sign3A_597 : i1 to i32
      %sign3A_599 = arith.subi %sign3A_595, %sign3A_598 : i32
      %ne3A_600 = arith.cmpi ne, %sign3A_592, %sign3A_599 : i32
      %rem3A_601 = arith.remsi %add3A_572, %jit3A_584 : i32
      %ne3A_602 = arith.constant 0 : i32
      %ne3A_603 = arith.cmpi ne, %rem3A_601, %ne3A_602 : i32
      %and3A_604 = arith.andi %ne3A_600, %ne3A_603 : i1
      %sub3A_605 = arith.constant 1 : i32
      %sub3A_606 = arith.subi %div3A_585, %sub3A_605 : i32
      %select_n3A_607 = arith.select %and3A_604, %sub3A_606, %div3A_585 : i32
      %jit3A_608 = arith.constant 2 : i32
      %eq3A_609 = arith.constant 0 : i32
      %eq3A_610 = arith.cmpi eq, %jit3A_608, %eq3A_609 : i32
      %jit3A_611 = arith.constant 1 : i32
      %select_n3A_612 = arith.select %eq3A_610, %jit3A_611, %jit3A_608 : i32
      %rem3A_613 = arith.remsi %add3A_572, %select_n3A_612 : i32
      %ne3A_614 = arith.constant 0 : i32
      %ne3A_615 = arith.cmpi ne, %rem3A_613, %ne3A_614 : i32
      %lt3A_616 = arith.constant 0 : i32
      %lt3A_617 = arith.cmpi slt, %rem3A_613, %lt3A_616 : i32
      %lt3A_618 = arith.constant 0 : i32
      %lt3A_619 = arith.cmpi slt, %select_n3A_612, %lt3A_618 : i32
      %ne3A_620 = arith.xori %lt3A_617, %lt3A_619 : i1
      %and3A_621 = arith.andi %ne3A_620, %ne3A_615 : i1
      %add3A_622 = arith.addi %rem3A_613, %select_n3A_612 : i32
      %select_n3A_623 = arith.select %and3A_621, %add3A_622, %rem3A_613 : i32
      %mul3A_624 = arith.constant 64 : i32
      %mul3A_625 = arith.muli %select_n3A_623, %mul3A_624 : i32
      %add3A_626 = arith.addi %mul3A_2, %mul3A_625 : i32
      %dma_start3A_627 = arith.constant 4 : i32
      %dma_start3A_628 = arith.constant 0 : i32
      %dma_start3A_629 = arith.constant 0 : i32
      %dma_start3A_630 = tpu.memref_slice %arg6[%dma_start3A_627, %dma_start3A_628, %dma_start3A_629] : memref<10x64x128xf32, #tpu.memory_space<vmem>> -> memref<1x64x128xf32, #tpu.memory_space<vmem>>
      %dma_start3A_631 = tpu.memref_squeeze %dma_start3A_630 : memref<1x64x128xf32, #tpu.memory_space<vmem>> -> memref<64x128xf32, #tpu.memory_space<vmem>>
      %dma_start3A_632 = arith.constant 0 : i32
      %dma_start3A_633 = tpu.memref_slice %arg4[%select_n3A_607, %add3A_626, %dma_start3A_632] : memref<50x4096x128xf32, #tpu.memory_space<hbm>> -> memref<1x64x128xf32, #tpu.memory_space<hbm>>
      %dma_start3A_634 = tpu.memref_squeeze %dma_start3A_633 : memref<1x64x128xf32, #tpu.memory_space<hbm>> -> memref<64x128xf32, #tpu.memory_space<hbm>>
      %dma_start3A_635 = arith.constant 0 : i32
      %dma_start3A_636 = tpu.memref_slice %arg4[%select_n3A_607, %add3A_626, %dma_start3A_635] : memref<50x4096x128xf32, #tpu.memory_space<hbm>> -> memref<1x64x128xf32, #tpu.memory_space<hbm>>
      %dma_start3A_637 = tpu.memref_squeeze %dma_start3A_636 : memref<1x64x128xf32, #tpu.memory_space<hbm>> -> memref<64x128xf32, #tpu.memory_space<hbm>>
      %dma_start3A_638 = arith.constant 0 : i32
      %dma_start3A_639 = arith.constant 0 : i32
      %dma_start3A_640 = tpu.memref_slice %arg6[%dma_start3A_627, %dma_start3A_638, %dma_start3A_639] : memref<10x64x128xf32, #tpu.memory_space<vmem>> -> memref<1x64x128xf32, #tpu.memory_space<vmem>>
      %dma_start3A_641 = tpu.memref_squeeze %dma_start3A_640 : memref<1x64x128xf32, #tpu.memory_space<vmem>> -> memref<64x128xf32, #tpu.memory_space<vmem>>
      tpu.enqueue_dma source(%dma_start3A_641 : memref<64x128xf32, #tpu.memory_space<vmem>>) target(%dma_start3A_637 : memref<64x128xf32, #tpu.memory_space<hbm>>) target_semaphore(%arg21 : memref<!tpu.dma_semaphore, #tpu.memory_space<semaphore_mem>>)
      %mul3A_642 = arith.constant 10 : i32
      %mul3A_643 = arith.muli %scan3A_286, %mul3A_642 : i32
      %add3A_644 = arith.constant 5 : i32
      %add3A_645 = arith.addi %mul3A_643, %add3A_644 : i32
      %dma_wait3A_646 = arith.constant 5 : i32
      %dma_wait3A_647 = arith.constant 0 : i32
      %dma_wait3A_648 = arith.constant 0 : i32
      %dma_wait3A_649 = tpu.memref_slice %arg6[%dma_wait3A_646, %dma_wait3A_647, %dma_wait3A_648] : memref<10x64x128xf32, #tpu.memory_space<vmem>> -> memref<1x64x128xf32, #tpu.memory_space<vmem>>
      %dma_wait3A_650 = tpu.memref_squeeze %dma_wait3A_649 : memref<1x64x128xf32, #tpu.memory_space<vmem>> -> memref<64x128xf32, #tpu.memory_space<vmem>>
      %dma_wait3A_651 = arith.constant 0 : i32
      %dma_wait3A_652 = tpu.memref_slice %arg5[%add3A_645, %dma_wait3A_651] : memref<100x64xi32, #tpu.memory_space<vmem>> -> memref<1x64xi32, #tpu.memory_space<vmem>>
      %dma_wait3A_653 = tpu.memref_squeeze %dma_wait3A_652 : memref<1x64xi32, #tpu.memory_space<vmem>> -> memref<64xi32, #tpu.memory_space<vmem>>
      %dma_wait3A_654 = arith.constant 0 : i32
      %dma_wait3A_655 = arith.constant 0 : i32
      %dma_wait3A_656 = tpu.memref_slice %arg3[%dma_wait3A_654, %dma_wait3A_655] : memref<100000x128xf32, #tpu.memory_space<hbm>> -> memref<100000x128xf32, #tpu.memory_space<hbm>>
      tpu.wait_indirect_dma semaphore(%arg12 : memref<!tpu.dma_semaphore, #tpu.memory_space<semaphore_mem>>) src(%dma_wait3A_656 : memref<100000x128xf32, #tpu.memory_space<hbm>>) dst(%dma_wait3A_650 : memref<64x128xf32, #tpu.memory_space<vmem>>)
      %jit3A_657 = arith.constant 2 : i32
      %div3A_658 = arith.divsi %add3A_645, %jit3A_657 : i32
      %sign3A_659 = arith.constant 0 : i32
      %sign3A_660 = arith.cmpi sgt, %add3A_645, %sign3A_659 : i32
      %sign3A_661 = arith.extui %sign3A_660 : i1 to i32
      %sign3A_662 = arith.constant 0 : i32
      %sign3A_663 = arith.cmpi slt, %add3A_645, %sign3A_662 : i32
      %sign3A_664 = arith.extui %sign3A_663 : i1 to i32
      %sign3A_665 = arith.subi %sign3A_661, %sign3A_664 : i32
      %sign3A_666 = arith.constant 0 : i32
      %sign3A_667 = arith.cmpi sgt, %jit3A_657, %sign3A_666 : i32
      %sign3A_668 = arith.extui %sign3A_667 : i1 to i32
      %sign3A_669 = arith.constant 0 : i32
      %sign3A_670 = arith.cmpi slt, %jit3A_657, %sign3A_669 : i32
      %sign3A_671 = arith.extui %sign3A_670 : i1 to i32
      %sign3A_672 = arith.subi %sign3A_668, %sign3A_671 : i32
      %ne3A_673 = arith.cmpi ne, %sign3A_665, %sign3A_672 : i32
      %rem3A_674 = arith.remsi %add3A_645, %jit3A_657 : i32
      %ne3A_675 = arith.constant 0 : i32
      %ne3A_676 = arith.cmpi ne, %rem3A_674, %ne3A_675 : i32
      %and3A_677 = arith.andi %ne3A_673, %ne3A_676 : i1
      %sub3A_678 = arith.constant 1 : i32
      %sub3A_679 = arith.subi %div3A_658, %sub3A_678 : i32
      %select_n3A_680 = arith.select %and3A_677, %sub3A_679, %div3A_658 : i32
      %jit3A_681 = arith.constant 2 : i32
      %eq3A_682 = arith.constant 0 : i32
      %eq3A_683 = arith.cmpi eq, %jit3A_681, %eq3A_682 : i32
      %jit3A_684 = arith.constant 1 : i32
      %select_n3A_685 = arith.select %eq3A_683, %jit3A_684, %jit3A_681 : i32
      %rem3A_686 = arith.remsi %add3A_645, %select_n3A_685 : i32
      %ne3A_687 = arith.constant 0 : i32
      %ne3A_688 = arith.cmpi ne, %rem3A_686, %ne3A_687 : i32
      %lt3A_689 = arith.constant 0 : i32
      %lt3A_690 = arith.cmpi slt, %rem3A_686, %lt3A_689 : i32
      %lt3A_691 = arith.constant 0 : i32
      %lt3A_692 = arith.cmpi slt, %select_n3A_685, %lt3A_691 : i32
      %ne3A_693 = arith.xori %lt3A_690, %lt3A_692 : i1
      %and3A_694 = arith.andi %ne3A_693, %ne3A_688 : i1
      %add3A_695 = arith.addi %rem3A_686, %select_n3A_685 : i32
      %select_n3A_696 = arith.select %and3A_694, %add3A_695, %rem3A_686 : i32
      %mul3A_697 = arith.constant 64 : i32
      %mul3A_698 = arith.muli %select_n3A_696, %mul3A_697 : i32
      %add3A_699 = arith.addi %mul3A_2, %mul3A_698 : i32
      %dma_start3A_700 = arith.constant 5 : i32
      %dma_start3A_701 = arith.constant 0 : i32
      %dma_start3A_702 = arith.constant 0 : i32
      %dma_start3A_703 = tpu.memref_slice %arg6[%dma_start3A_700, %dma_start3A_701, %dma_start3A_702] : memref<10x64x128xf32, #tpu.memory_space<vmem>> -> memref<1x64x128xf32, #tpu.memory_space<vmem>>
      %dma_start3A_704 = tpu.memref_squeeze %dma_start3A_703 : memref<1x64x128xf32, #tpu.memory_space<vmem>> -> memref<64x128xf32, #tpu.memory_space<vmem>>
      %dma_start3A_705 = arith.constant 0 : i32
      %dma_start3A_706 = tpu.memref_slice %arg4[%select_n3A_680, %add3A_699, %dma_start3A_705] : memref<50x4096x128xf32, #tpu.memory_space<hbm>> -> memref<1x64x128xf32, #tpu.memory_space<hbm>>
      %dma_start3A_707 = tpu.memref_squeeze %dma_start3A_706 : memref<1x64x128xf32, #tpu.memory_space<hbm>> -> memref<64x128xf32, #tpu.memory_space<hbm>>
      %dma_start3A_708 = arith.constant 0 : i32
      %dma_start3A_709 = tpu.memref_slice %arg4[%select_n3A_680, %add3A_699, %dma_start3A_708] : memref<50x4096x128xf32, #tpu.memory_space<hbm>> -> memref<1x64x128xf32, #tpu.memory_space<hbm>>
      %dma_start3A_710 = tpu.memref_squeeze %dma_start3A_709 : memref<1x64x128xf32, #tpu.memory_space<hbm>> -> memref<64x128xf32, #tpu.memory_space<hbm>>
      %dma_start3A_711 = arith.constant 0 : i32
      %dma_start3A_712 = arith.constant 0 : i32
      %dma_start3A_713 = tpu.memref_slice %arg6[%dma_start3A_700, %dma_start3A_711, %dma_start3A_712] : memref<10x64x128xf32, #tpu.memory_space<vmem>> -> memref<1x64x128xf32, #tpu.memory_space<vmem>>
      %dma_start3A_714 = tpu.memref_squeeze %dma_start3A_713 : memref<1x64x128xf32, #tpu.memory_space<vmem>> -> memref<64x128xf32, #tpu.memory_space<vmem>>
      tpu.enqueue_dma source(%dma_start3A_714 : memref<64x128xf32, #tpu.memory_space<vmem>>) target(%dma_start3A_710 : memref<64x128xf32, #tpu.memory_space<hbm>>) target_semaphore(%arg22 : memref<!tpu.dma_semaphore, #tpu.memory_space<semaphore_mem>>)
      %mul3A_715 = arith.constant 10 : i32
      %mul3A_716 = arith.muli %scan3A_286, %mul3A_715 : i32
      %add3A_717 = arith.constant 6 : i32
      %add3A_718 = arith.addi %mul3A_716, %add3A_717 : i32
      %dma_wait3A_719 = arith.constant 6 : i32
      %dma_wait3A_720 = arith.constant 0 : i32
      %dma_wait3A_721 = arith.constant 0 : i32
      %dma_wait3A_722 = tpu.memref_slice %arg6[%dma_wait3A_719, %dma_wait3A_720, %dma_wait3A_721] : memref<10x64x128xf32, #tpu.memory_space<vmem>> -> memref<1x64x128xf32, #tpu.memory_space<vmem>>
      %dma_wait3A_723 = tpu.memref_squeeze %dma_wait3A_722 : memref<1x64x128xf32, #tpu.memory_space<vmem>> -> memref<64x128xf32, #tpu.memory_space<vmem>>
      %dma_wait3A_724 = arith.constant 0 : i32
      %dma_wait3A_725 = tpu.memref_slice %arg5[%add3A_718, %dma_wait3A_724] : memref<100x64xi32, #tpu.memory_space<vmem>> -> memref<1x64xi32, #tpu.memory_space<vmem>>
      %dma_wait3A_726 = tpu.memref_squeeze %dma_wait3A_725 : memref<1x64xi32, #tpu.memory_space<vmem>> -> memref<64xi32, #tpu.memory_space<vmem>>
      %dma_wait3A_727 = arith.constant 0 : i32
      %dma_wait3A_728 = arith.constant 0 : i32
      %dma_wait3A_729 = tpu.memref_slice %arg3[%dma_wait3A_727, %dma_wait3A_728] : memref<100000x128xf32, #tpu.memory_space<hbm>> -> memref<100000x128xf32, #tpu.memory_space<hbm>>
      tpu.wait_indirect_dma semaphore(%arg13 : memref<!tpu.dma_semaphore, #tpu.memory_space<semaphore_mem>>) src(%dma_wait3A_729 : memref<100000x128xf32, #tpu.memory_space<hbm>>) dst(%dma_wait3A_723 : memref<64x128xf32, #tpu.memory_space<vmem>>)
      %jit3A_730 = arith.constant 2 : i32
      %div3A_731 = arith.divsi %add3A_718, %jit3A_730 : i32
      %sign3A_732 = arith.constant 0 : i32
      %sign3A_733 = arith.cmpi sgt, %add3A_718, %sign3A_732 : i32
      %sign3A_734 = arith.extui %sign3A_733 : i1 to i32
      %sign3A_735 = arith.constant 0 : i32
      %sign3A_736 = arith.cmpi slt, %add3A_718, %sign3A_735 : i32
      %sign3A_737 = arith.extui %sign3A_736 : i1 to i32
      %sign3A_738 = arith.subi %sign3A_734, %sign3A_737 : i32
      %sign3A_739 = arith.constant 0 : i32
      %sign3A_740 = arith.cmpi sgt, %jit3A_730, %sign3A_739 : i32
      %sign3A_741 = arith.extui %sign3A_740 : i1 to i32
      %sign3A_742 = arith.constant 0 : i32
      %sign3A_743 = arith.cmpi slt, %jit3A_730, %sign3A_742 : i32
      %sign3A_744 = arith.extui %sign3A_743 : i1 to i32
      %sign3A_745 = arith.subi %sign3A_741, %sign3A_744 : i32
      %ne3A_746 = arith.cmpi ne, %sign3A_738, %sign3A_745 : i32
      %rem3A_747 = arith.remsi %add3A_718, %jit3A_730 : i32
      %ne3A_748 = arith.constant 0 : i32
      %ne3A_749 = arith.cmpi ne, %rem3A_747, %ne3A_748 : i32
      %and3A_750 = arith.andi %ne3A_746, %ne3A_749 : i1
      %sub3A_751 = arith.constant 1 : i32
      %sub3A_752 = arith.subi %div3A_731, %sub3A_751 : i32
      %select_n3A_753 = arith.select %and3A_750, %sub3A_752, %div3A_731 : i32
      %jit3A_754 = arith.constant 2 : i32
      %eq3A_755 = arith.constant 0 : i32
      %eq3A_756 = arith.cmpi eq, %jit3A_754, %eq3A_755 : i32
      %jit3A_757 = arith.constant 1 : i32
      %select_n3A_758 = arith.select %eq3A_756, %jit3A_757, %jit3A_754 : i32
      %rem3A_759 = arith.remsi %add3A_718, %select_n3A_758 : i32
      %ne3A_760 = arith.constant 0 : i32
      %ne3A_761 = arith.cmpi ne, %rem3A_759, %ne3A_760 : i32
      %lt3A_762 = arith.constant 0 : i32
      %lt3A_763 = arith.cmpi slt, %rem3A_759, %lt3A_762 : i32
      %lt3A_764 = arith.constant 0 : i32
      %lt3A_765 = arith.cmpi slt, %select_n3A_758, %lt3A_764 : i32
      %ne3A_766 = arith.xori %lt3A_763, %lt3A_765 : i1
      %and3A_767 = arith.andi %ne3A_766, %ne3A_761 : i1
      %add3A_768 = arith.addi %rem3A_759, %select_n3A_758 : i32
      %select_n3A_769 = arith.select %and3A_767, %add3A_768, %rem3A_759 : i32
      %mul3A_770 = arith.constant 64 : i32
      %mul3A_771 = arith.muli %select_n3A_769, %mul3A_770 : i32
      %add3A_772 = arith.addi %mul3A_2, %mul3A_771 : i32
      %dma_start3A_773 = arith.constant 6 : i32
      %dma_start3A_774 = arith.constant 0 : i32
      %dma_start3A_775 = arith.constant 0 : i32
      %dma_start3A_776 = tpu.memref_slice %arg6[%dma_start3A_773, %dma_start3A_774, %dma_start3A_775] : memref<10x64x128xf32, #tpu.memory_space<vmem>> -> memref<1x64x128xf32, #tpu.memory_space<vmem>>
      %dma_start3A_777 = tpu.memref_squeeze %dma_start3A_776 : memref<1x64x128xf32, #tpu.memory_space<vmem>> -> memref<64x128xf32, #tpu.memory_space<vmem>>
      %dma_start3A_778 = arith.constant 0 : i32
      %dma_start3A_779 = tpu.memref_slice %arg4[%select_n3A_753, %add3A_772, %dma_start3A_778] : memref<50x4096x128xf32, #tpu.memory_space<hbm>> -> memref<1x64x128xf32, #tpu.memory_space<hbm>>
      %dma_start3A_780 = tpu.memref_squeeze %dma_start3A_779 : memref<1x64x128xf32, #tpu.memory_space<hbm>> -> memref<64x128xf32, #tpu.memory_space<hbm>>
      %dma_start3A_781 = arith.constant 0 : i32
      %dma_start3A_782 = tpu.memref_slice %arg4[%select_n3A_753, %add3A_772, %dma_start3A_781] : memref<50x4096x128xf32, #tpu.memory_space<hbm>> -> memref<1x64x128xf32, #tpu.memory_space<hbm>>
      %dma_start3A_783 = tpu.memref_squeeze %dma_start3A_782 : memref<1x64x128xf32, #tpu.memory_space<hbm>> -> memref<64x128xf32, #tpu.memory_space<hbm>>
      %dma_start3A_784 = arith.constant 0 : i32
      %dma_start3A_785 = arith.constant 0 : i32
      %dma_start3A_786 = tpu.memref_slice %arg6[%dma_start3A_773, %dma_start3A_784, %dma_start3A_785] : memref<10x64x128xf32, #tpu.memory_space<vmem>> -> memref<1x64x128xf32, #tpu.memory_space<vmem>>
      %dma_start3A_787 = tpu.memref_squeeze %dma_start3A_786 : memref<1x64x128xf32, #tpu.memory_space<vmem>> -> memref<64x128xf32, #tpu.memory_space<vmem>>
      tpu.enqueue_dma source(%dma_start3A_787 : memref<64x128xf32, #tpu.memory_space<vmem>>) target(%dma_start3A_783 : memref<64x128xf32, #tpu.memory_space<hbm>>) target_semaphore(%arg23 : memref<!tpu.dma_semaphore, #tpu.memory_space<semaphore_mem>>)
      %mul3A_788 = arith.constant 10 : i32
      %mul3A_789 = arith.muli %scan3A_286, %mul3A_788 : i32
      %add3A_790 = arith.constant 7 : i32
      %add3A_791 = arith.addi %mul3A_789, %add3A_790 : i32
      %dma_wait3A_792 = arith.constant 7 : i32
      %dma_wait3A_793 = arith.constant 0 : i32
      %dma_wait3A_794 = arith.constant 0 : i32
      %dma_wait3A_795 = tpu.memref_slice %arg6[%dma_wait3A_792, %dma_wait3A_793, %dma_wait3A_794] : memref<10x64x128xf32, #tpu.memory_space<vmem>> -> memref<1x64x128xf32, #tpu.memory_space<vmem>>
      %dma_wait3A_796 = tpu.memref_squeeze %dma_wait3A_795 : memref<1x64x128xf32, #tpu.memory_space<vmem>> -> memref<64x128xf32, #tpu.memory_space<vmem>>
      %dma_wait3A_797 = arith.constant 0 : i32
      %dma_wait3A_798 = tpu.memref_slice %arg5[%add3A_791, %dma_wait3A_797] : memref<100x64xi32, #tpu.memory_space<vmem>> -> memref<1x64xi32, #tpu.memory_space<vmem>>
      %dma_wait3A_799 = tpu.memref_squeeze %dma_wait3A_798 : memref<1x64xi32, #tpu.memory_space<vmem>> -> memref<64xi32, #tpu.memory_space<vmem>>
      %dma_wait3A_800 = arith.constant 0 : i32
      %dma_wait3A_801 = arith.constant 0 : i32
      %dma_wait3A_802 = tpu.memref_slice %arg3[%dma_wait3A_800, %dma_wait3A_801] : memref<100000x128xf32, #tpu.memory_space<hbm>> -> memref<100000x128xf32, #tpu.memory_space<hbm>>
      tpu.wait_indirect_dma semaphore(%arg14 : memref<!tpu.dma_semaphore, #tpu.memory_space<semaphore_mem>>) src(%dma_wait3A_802 : memref<100000x128xf32, #tpu.memory_space<hbm>>) dst(%dma_wait3A_796 : memref<64x128xf32, #tpu.memory_space<vmem>>)
      %jit3A_803 = arith.constant 2 : i32
      %div3A_804 = arith.divsi %add3A_791, %jit3A_803 : i32
      %sign3A_805 = arith.constant 0 : i32
      %sign3A_806 = arith.cmpi sgt, %add3A_791, %sign3A_805 : i32
      %sign3A_807 = arith.extui %sign3A_806 : i1 to i32
      %sign3A_808 = arith.constant 0 : i32
      %sign3A_809 = arith.cmpi slt, %add3A_791, %sign3A_808 : i32
      %sign3A_810 = arith.extui %sign3A_809 : i1 to i32
      %sign3A_811 = arith.subi %sign3A_807, %sign3A_810 : i32
      %sign3A_812 = arith.constant 0 : i32
      %sign3A_813 = arith.cmpi sgt, %jit3A_803, %sign3A_812 : i32
      %sign3A_814 = arith.extui %sign3A_813 : i1 to i32
      %sign3A_815 = arith.constant 0 : i32
      %sign3A_816 = arith.cmpi slt, %jit3A_803, %sign3A_815 : i32
      %sign3A_817 = arith.extui %sign3A_816 : i1 to i32
      %sign3A_818 = arith.subi %sign3A_814, %sign3A_817 : i32
      %ne3A_819 = arith.cmpi ne, %sign3A_811, %sign3A_818 : i32
      %rem3A_820 = arith.remsi %add3A_791, %jit3A_803 : i32
      %ne3A_821 = arith.constant 0 : i32
      %ne3A_822 = arith.cmpi ne, %rem3A_820, %ne3A_821 : i32
      %and3A_823 = arith.andi %ne3A_819, %ne3A_822 : i1
      %sub3A_824 = arith.constant 1 : i32
      %sub3A_825 = arith.subi %div3A_804, %sub3A_824 : i32
      %select_n3A_826 = arith.select %and3A_823, %sub3A_825, %div3A_804 : i32
      %jit3A_827 = arith.constant 2 : i32
      %eq3A_828 = arith.constant 0 : i32
      %eq3A_829 = arith.cmpi eq, %jit3A_827, %eq3A_828 : i32
      %jit3A_830 = arith.constant 1 : i32
      %select_n3A_831 = arith.select %eq3A_829, %jit3A_830, %jit3A_827 : i32
      %rem3A_832 = arith.remsi %add3A_791, %select_n3A_831 : i32
      %ne3A_833 = arith.constant 0 : i32
      %ne3A_834 = arith.cmpi ne, %rem3A_832, %ne3A_833 : i32
      %lt3A_835 = arith.constant 0 : i32
      %lt3A_836 = arith.cmpi slt, %rem3A_832, %lt3A_835 : i32
      %lt3A_837 = arith.constant 0 : i32
      %lt3A_838 = arith.cmpi slt, %select_n3A_831, %lt3A_837 : i32
      %ne3A_839 = arith.xori %lt3A_836, %lt3A_838 : i1
      %and3A_840 = arith.andi %ne3A_839, %ne3A_834 : i1
      %add3A_841 = arith.addi %rem3A_832, %select_n3A_831 : i32
      %select_n3A_842 = arith.select %and3A_840, %add3A_841, %rem3A_832 : i32
      %mul3A_843 = arith.constant 64 : i32
      %mul3A_844 = arith.muli %select_n3A_842, %mul3A_843 : i32
      %add3A_845 = arith.addi %mul3A_2, %mul3A_844 : i32
      %dma_start3A_846 = arith.constant 7 : i32
      %dma_start3A_847 = arith.constant 0 : i32
      %dma_start3A_848 = arith.constant 0 : i32
      %dma_start3A_849 = tpu.memref_slice %arg6[%dma_start3A_846, %dma_start3A_847, %dma_start3A_848] : memref<10x64x128xf32, #tpu.memory_space<vmem>> -> memref<1x64x128xf32, #tpu.memory_space<vmem>>
      %dma_start3A_850 = tpu.memref_squeeze %dma_start3A_849 : memref<1x64x128xf32, #tpu.memory_space<vmem>> -> memref<64x128xf32, #tpu.memory_space<vmem>>
      %dma_start3A_851 = arith.constant 0 : i32
      %dma_start3A_852 = tpu.memref_slice %arg4[%select_n3A_826, %add3A_845, %dma_start3A_851] : memref<50x4096x128xf32, #tpu.memory_space<hbm>> -> memref<1x64x128xf32, #tpu.memory_space<hbm>>
      %dma_start3A_853 = tpu.memref_squeeze %dma_start3A_852 : memref<1x64x128xf32, #tpu.memory_space<hbm>> -> memref<64x128xf32, #tpu.memory_space<hbm>>
      %dma_start3A_854 = arith.constant 0 : i32
      %dma_start3A_855 = tpu.memref_slice %arg4[%select_n3A_826, %add3A_845, %dma_start3A_854] : memref<50x4096x128xf32, #tpu.memory_space<hbm>> -> memref<1x64x128xf32, #tpu.memory_space<hbm>>
      %dma_start3A_856 = tpu.memref_squeeze %dma_start3A_855 : memref<1x64x128xf32, #tpu.memory_space<hbm>> -> memref<64x128xf32, #tpu.memory_space<hbm>>
      %dma_start3A_857 = arith.constant 0 : i32
      %dma_start3A_858 = arith.constant 0 : i32
      %dma_start3A_859 = tpu.memref_slice %arg6[%dma_start3A_846, %dma_start3A_857, %dma_start3A_858] : memref<10x64x128xf32, #tpu.memory_space<vmem>> -> memref<1x64x128xf32, #tpu.memory_space<vmem>>
      %dma_start3A_860 = tpu.memref_squeeze %dma_start3A_859 : memref<1x64x128xf32, #tpu.memory_space<vmem>> -> memref<64x128xf32, #tpu.memory_space<vmem>>
      tpu.enqueue_dma source(%dma_start3A_860 : memref<64x128xf32, #tpu.memory_space<vmem>>) target(%dma_start3A_856 : memref<64x128xf32, #tpu.memory_space<hbm>>) target_semaphore(%arg24 : memref<!tpu.dma_semaphore, #tpu.memory_space<semaphore_mem>>)
      %mul3A_861 = arith.constant 10 : i32
      %mul3A_862 = arith.muli %scan3A_286, %mul3A_861 : i32
      %add3A_863 = arith.constant 8 : i32
      %add3A_864 = arith.addi %mul3A_862, %add3A_863 : i32
      %dma_wait3A_865 = arith.constant 8 : i32
      %dma_wait3A_866 = arith.constant 0 : i32
      %dma_wait3A_867 = arith.constant 0 : i32
      %dma_wait3A_868 = tpu.memref_slice %arg6[%dma_wait3A_865, %dma_wait3A_866, %dma_wait3A_867] : memref<10x64x128xf32, #tpu.memory_space<vmem>> -> memref<1x64x128xf32, #tpu.memory_space<vmem>>
      %dma_wait3A_869 = tpu.memref_squeeze %dma_wait3A_868 : memref<1x64x128xf32, #tpu.memory_space<vmem>> -> memref<64x128xf32, #tpu.memory_space<vmem>>
      %dma_wait3A_870 = arith.constant 0 : i32
      %dma_wait3A_871 = tpu.memref_slice %arg5[%add3A_864, %dma_wait3A_870] : memref<100x64xi32, #tpu.memory_space<vmem>> -> memref<1x64xi32, #tpu.memory_space<vmem>>
      %dma_wait3A_872 = tpu.memref_squeeze %dma_wait3A_871 : memref<1x64xi32, #tpu.memory_space<vmem>> -> memref<64xi32, #tpu.memory_space<vmem>>
      %dma_wait3A_873 = arith.constant 0 : i32
      %dma_wait3A_874 = arith.constant 0 : i32
      %dma_wait3A_875 = tpu.memref_slice %arg3[%dma_wait3A_873, %dma_wait3A_874] : memref<100000x128xf32, #tpu.memory_space<hbm>> -> memref<100000x128xf32, #tpu.memory_space<hbm>>
      tpu.wait_indirect_dma semaphore(%arg15 : memref<!tpu.dma_semaphore, #tpu.memory_space<semaphore_mem>>) src(%dma_wait3A_875 : memref<100000x128xf32, #tpu.memory_space<hbm>>) dst(%dma_wait3A_869 : memref<64x128xf32, #tpu.memory_space<vmem>>)
      %jit3A_876 = arith.constant 2 : i32
      %div3A_877 = arith.divsi %add3A_864, %jit3A_876 : i32
      %sign3A_878 = arith.constant 0 : i32
      %sign3A_879 = arith.cmpi sgt, %add3A_864, %sign3A_878 : i32
      %sign3A_880 = arith.extui %sign3A_879 : i1 to i32
      %sign3A_881 = arith.constant 0 : i32
      %sign3A_882 = arith.cmpi slt, %add3A_864, %sign3A_881 : i32
      %sign3A_883 = arith.extui %sign3A_882 : i1 to i32
      %sign3A_884 = arith.subi %sign3A_880, %sign3A_883 : i32
      %sign3A_885 = arith.constant 0 : i32
      %sign3A_886 = arith.cmpi sgt, %jit3A_876, %sign3A_885 : i32
      %sign3A_887 = arith.extui %sign3A_886 : i1 to i32
      %sign3A_888 = arith.constant 0 : i32
      %sign3A_889 = arith.cmpi slt, %jit3A_876, %sign3A_888 : i32
      %sign3A_890 = arith.extui %sign3A_889 : i1 to i32
      %sign3A_891 = arith.subi %sign3A_887, %sign3A_890 : i32
      %ne3A_892 = arith.cmpi ne, %sign3A_884, %sign3A_891 : i32
      %rem3A_893 = arith.remsi %add3A_864, %jit3A_876 : i32
      %ne3A_894 = arith.constant 0 : i32
      %ne3A_895 = arith.cmpi ne, %rem3A_893, %ne3A_894 : i32
      %and3A_896 = arith.andi %ne3A_892, %ne3A_895 : i1
      %sub3A_897 = arith.constant 1 : i32
      %sub3A_898 = arith.subi %div3A_877, %sub3A_897 : i32
      %select_n3A_899 = arith.select %and3A_896, %sub3A_898, %div3A_877 : i32
      %jit3A_900 = arith.constant 2 : i32
      %eq3A_901 = arith.constant 0 : i32
      %eq3A_902 = arith.cmpi eq, %jit3A_900, %eq3A_901 : i32
      %jit3A_903 = arith.constant 1 : i32
      %select_n3A_904 = arith.select %eq3A_902, %jit3A_903, %jit3A_900 : i32
      %rem3A_905 = arith.remsi %add3A_864, %select_n3A_904 : i32
      %ne3A_906 = arith.constant 0 : i32
      %ne3A_907 = arith.cmpi ne, %rem3A_905, %ne3A_906 : i32
      %lt3A_908 = arith.constant 0 : i32
      %lt3A_909 = arith.cmpi slt, %rem3A_905, %lt3A_908 : i32
      %lt3A_910 = arith.constant 0 : i32
      %lt3A_911 = arith.cmpi slt, %select_n3A_904, %lt3A_910 : i32
      %ne3A_912 = arith.xori %lt3A_909, %lt3A_911 : i1
      %and3A_913 = arith.andi %ne3A_912, %ne3A_907 : i1
      %add3A_914 = arith.addi %rem3A_905, %select_n3A_904 : i32
      %select_n3A_915 = arith.select %and3A_913, %add3A_914, %rem3A_905 : i32
      %mul3A_916 = arith.constant 64 : i32
      %mul3A_917 = arith.muli %select_n3A_915, %mul3A_916 : i32
      %add3A_918 = arith.addi %mul3A_2, %mul3A_917 : i32
      %dma_start3A_919 = arith.constant 8 : i32
      %dma_start3A_920 = arith.constant 0 : i32
      %dma_start3A_921 = arith.constant 0 : i32
      %dma_start3A_922 = tpu.memref_slice %arg6[%dma_start3A_919, %dma_start3A_920, %dma_start3A_921] : memref<10x64x128xf32, #tpu.memory_space<vmem>> -> memref<1x64x128xf32, #tpu.memory_space<vmem>>
      %dma_start3A_923 = tpu.memref_squeeze %dma_start3A_922 : memref<1x64x128xf32, #tpu.memory_space<vmem>> -> memref<64x128xf32, #tpu.memory_space<vmem>>
      %dma_start3A_924 = arith.constant 0 : i32
      %dma_start3A_925 = tpu.memref_slice %arg4[%select_n3A_899, %add3A_918, %dma_start3A_924] : memref<50x4096x128xf32, #tpu.memory_space<hbm>> -> memref<1x64x128xf32, #tpu.memory_space<hbm>>
      %dma_start3A_926 = tpu.memref_squeeze %dma_start3A_925 : memref<1x64x128xf32, #tpu.memory_space<hbm>> -> memref<64x128xf32, #tpu.memory_space<hbm>>
      %dma_start3A_927 = arith.constant 0 : i32
      %dma_start3A_928 = tpu.memref_slice %arg4[%select_n3A_899, %add3A_918, %dma_start3A_927] : memref<50x4096x128xf32, #tpu.memory_space<hbm>> -> memref<1x64x128xf32, #tpu.memory_space<hbm>>
      %dma_start3A_929 = tpu.memref_squeeze %dma_start3A_928 : memref<1x64x128xf32, #tpu.memory_space<hbm>> -> memref<64x128xf32, #tpu.memory_space<hbm>>
      %dma_start3A_930 = arith.constant 0 : i32
      %dma_start3A_931 = arith.constant 0 : i32
      %dma_start3A_932 = tpu.memref_slice %arg6[%dma_start3A_919, %dma_start3A_930, %dma_start3A_931] : memref<10x64x128xf32, #tpu.memory_space<vmem>> -> memref<1x64x128xf32, #tpu.memory_space<vmem>>
      %dma_start3A_933 = tpu.memref_squeeze %dma_start3A_932 : memref<1x64x128xf32, #tpu.memory_space<vmem>> -> memref<64x128xf32, #tpu.memory_space<vmem>>
      tpu.enqueue_dma source(%dma_start3A_933 : memref<64x128xf32, #tpu.memory_space<vmem>>) target(%dma_start3A_929 : memref<64x128xf32, #tpu.memory_space<hbm>>) target_semaphore(%arg25 : memref<!tpu.dma_semaphore, #tpu.memory_space<semaphore_mem>>)
      %mul3A_934 = arith.constant 10 : i32
      %mul3A_935 = arith.muli %scan3A_286, %mul3A_934 : i32
      %add3A_936 = arith.constant 9 : i32
      %add3A_937 = arith.addi %mul3A_935, %add3A_936 : i32
      %dma_wait3A_938 = arith.constant 9 : i32
      %dma_wait3A_939 = arith.constant 0 : i32
      %dma_wait3A_940 = arith.constant 0 : i32
      %dma_wait3A_941 = tpu.memref_slice %arg6[%dma_wait3A_938, %dma_wait3A_939, %dma_wait3A_940] : memref<10x64x128xf32, #tpu.memory_space<vmem>> -> memref<1x64x128xf32, #tpu.memory_space<vmem>>
      %dma_wait3A_942 = tpu.memref_squeeze %dma_wait3A_941 : memref<1x64x128xf32, #tpu.memory_space<vmem>> -> memref<64x128xf32, #tpu.memory_space<vmem>>
      %dma_wait3A_943 = arith.constant 0 : i32
      %dma_wait3A_944 = tpu.memref_slice %arg5[%add3A_937, %dma_wait3A_943] : memref<100x64xi32, #tpu.memory_space<vmem>> -> memref<1x64xi32, #tpu.memory_space<vmem>>
      %dma_wait3A_945 = tpu.memref_squeeze %dma_wait3A_944 : memref<1x64xi32, #tpu.memory_space<vmem>> -> memref<64xi32, #tpu.memory_space<vmem>>
      %dma_wait3A_946 = arith.constant 0 : i32
      %dma_wait3A_947 = arith.constant 0 : i32
      %dma_wait3A_948 = tpu.memref_slice %arg3[%dma_wait3A_946, %dma_wait3A_947] : memref<100000x128xf32, #tpu.memory_space<hbm>> -> memref<100000x128xf32, #tpu.memory_space<hbm>>
      tpu.wait_indirect_dma semaphore(%arg16 : memref<!tpu.dma_semaphore, #tpu.memory_space<semaphore_mem>>) src(%dma_wait3A_948 : memref<100000x128xf32, #tpu.memory_space<hbm>>) dst(%dma_wait3A_942 : memref<64x128xf32, #tpu.memory_space<vmem>>)
      %jit3A_949 = arith.constant 2 : i32
      %div3A_950 = arith.divsi %add3A_937, %jit3A_949 : i32
      %sign3A_951 = arith.constant 0 : i32
      %sign3A_952 = arith.cmpi sgt, %add3A_937, %sign3A_951 : i32
      %sign3A_953 = arith.extui %sign3A_952 : i1 to i32
      %sign3A_954 = arith.constant 0 : i32
      %sign3A_955 = arith.cmpi slt, %add3A_937, %sign3A_954 : i32
      %sign3A_956 = arith.extui %sign3A_955 : i1 to i32
      %sign3A_957 = arith.subi %sign3A_953, %sign3A_956 : i32
      %sign3A_958 = arith.constant 0 : i32
      %sign3A_959 = arith.cmpi sgt, %jit3A_949, %sign3A_958 : i32
      %sign3A_960 = arith.extui %sign3A_959 : i1 to i32
      %sign3A_961 = arith.constant 0 : i32
      %sign3A_962 = arith.cmpi slt, %jit3A_949, %sign3A_961 : i32
      %sign3A_963 = arith.extui %sign3A_962 : i1 to i32
      %sign3A_964 = arith.subi %sign3A_960, %sign3A_963 : i32
      %ne3A_965 = arith.cmpi ne, %sign3A_957, %sign3A_964 : i32
      %rem3A_966 = arith.remsi %add3A_937, %jit3A_949 : i32
      %ne3A_967 = arith.constant 0 : i32
      %ne3A_968 = arith.cmpi ne, %rem3A_966, %ne3A_967 : i32
      %and3A_969 = arith.andi %ne3A_965, %ne3A_968 : i1
      %sub3A_970 = arith.constant 1 : i32
      %sub3A_971 = arith.subi %div3A_950, %sub3A_970 : i32
      %select_n3A_972 = arith.select %and3A_969, %sub3A_971, %div3A_950 : i32
      %jit3A_973 = arith.constant 2 : i32
      %eq3A_974 = arith.constant 0 : i32
      %eq3A_975 = arith.cmpi eq, %jit3A_973, %eq3A_974 : i32
      %jit3A_976 = arith.constant 1 : i32
      %select_n3A_977 = arith.select %eq3A_975, %jit3A_976, %jit3A_973 : i32
      %rem3A_978 = arith.remsi %add3A_937, %select_n3A_977 : i32
      %ne3A_979 = arith.constant 0 : i32
      %ne3A_980 = arith.cmpi ne, %rem3A_978, %ne3A_979 : i32
      %lt3A_981 = arith.constant 0 : i32
      %lt3A_982 = arith.cmpi slt, %rem3A_978, %lt3A_981 : i32
      %lt3A_983 = arith.constant 0 : i32
      %lt3A_984 = arith.cmpi slt, %select_n3A_977, %lt3A_983 : i32
      %ne3A_985 = arith.xori %lt3A_982, %lt3A_984 : i1
      %and3A_986 = arith.andi %ne3A_985, %ne3A_980 : i1
      %add3A_987 = arith.addi %rem3A_978, %select_n3A_977 : i32
      %select_n3A_988 = arith.select %and3A_986, %add3A_987, %rem3A_978 : i32
      %mul3A_989 = arith.constant 64 : i32
      %mul3A_990 = arith.muli %select_n3A_988, %mul3A_989 : i32
      %add3A_991 = arith.addi %mul3A_2, %mul3A_990 : i32
      %dma_start3A_992 = arith.constant 9 : i32
      %dma_start3A_993 = arith.constant 0 : i32
      %dma_start3A_994 = arith.constant 0 : i32
      %dma_start3A_995 = tpu.memref_slice %arg6[%dma_start3A_992, %dma_start3A_993, %dma_start3A_994] : memref<10x64x128xf32, #tpu.memory_space<vmem>> -> memref<1x64x128xf32, #tpu.memory_space<vmem>>
      %dma_start3A_996 = tpu.memref_squeeze %dma_start3A_995 : memref<1x64x128xf32, #tpu.memory_space<vmem>> -> memref<64x128xf32, #tpu.memory_space<vmem>>
      %dma_start3A_997 = arith.constant 0 : i32
      %dma_start3A_998 = tpu.memref_slice %arg4[%select_n3A_972, %add3A_991, %dma_start3A_997] : memref<50x4096x128xf32, #tpu.memory_space<hbm>> -> memref<1x64x128xf32, #tpu.memory_space<hbm>>
      %dma_start3A_999 = tpu.memref_squeeze %dma_start3A_998 : memref<1x64x128xf32, #tpu.memory_space<hbm>> -> memref<64x128xf32, #tpu.memory_space<hbm>>
      %dma_start3A_1000 = arith.constant 0 : i32
      %dma_start3A_1001 = tpu.memref_slice %arg4[%select_n3A_972, %add3A_991, %dma_start3A_1000] : memref<50x4096x128xf32, #tpu.memory_space<hbm>> -> memref<1x64x128xf32, #tpu.memory_space<hbm>>
      %dma_start3A_1002 = tpu.memref_squeeze %dma_start3A_1001 : memref<1x64x128xf32, #tpu.memory_space<hbm>> -> memref<64x128xf32, #tpu.memory_space<hbm>>
      %dma_start3A_1003 = arith.constant 0 : i32
      %dma_start3A_1004 = arith.constant 0 : i32
      %dma_start3A_1005 = tpu.memref_slice %arg6[%dma_start3A_992, %dma_start3A_1003, %dma_start3A_1004] : memref<10x64x128xf32, #tpu.memory_space<vmem>> -> memref<1x64x128xf32, #tpu.memory_space<vmem>>
      %dma_start3A_1006 = tpu.memref_squeeze %dma_start3A_1005 : memref<1x64x128xf32, #tpu.memory_space<vmem>> -> memref<64x128xf32, #tpu.memory_space<vmem>>
      tpu.enqueue_dma source(%dma_start3A_1006 : memref<64x128xf32, #tpu.memory_space<vmem>>) target(%dma_start3A_1002 : memref<64x128xf32, #tpu.memory_space<hbm>>) target_semaphore(%arg26 : memref<!tpu.dma_semaphore, #tpu.memory_space<semaphore_mem>>)
      %lt3A_1007 = arith.constant 9 : i32
      %lt3A_1008 = arith.cmpi slt, %scan3A_286, %lt3A_1007 : i32
      %convert_element_type3A = arith.extui %lt3A_1008 : i1 to i32
      %cond3A = arith.constant 0 : i32
      %cond3A_1009 = arith.cmpi ne, %convert_element_type3A, %cond3A : i32
      scf.if %cond3A_1009 {
        %add3A_1010 = arith.constant 1 : i32
        %add3A_1011 = arith.addi %scan3A_286, %add3A_1010 : i32
        %mul3A_1012 = arith.constant 10 : i32
        %mul3A_1013 = arith.muli %add3A_1011, %mul3A_1012 : i32
        %add3A_1014 = arith.constant 0 : i32
        %add3A_1015 = arith.addi %mul3A_1013, %add3A_1014 : i32
        %dma_wait3A_1016 = arith.constant 0 : i32
        %dma_wait3A_1017 = arith.constant 0 : i32
        %dma_wait3A_1018 = arith.constant 0 : i32
        %dma_wait3A_1019 = arith.constant 0 : i32
        %dma_wait3A_1020 = tpu.memref_slice %arg6[%dma_wait3A_1016, %dma_wait3A_1018, %dma_wait3A_1019] : memref<10x64x128xf32, #tpu.memory_space<vmem>> -> memref<1x64x128xf32, #tpu.memory_space<vmem>>
        %dma_wait3A_1021 = tpu.memref_squeeze %dma_wait3A_1020 : memref<1x64x128xf32, #tpu.memory_space<vmem>> -> memref<64x128xf32, #tpu.memory_space<vmem>>
        %dma_wait3A_1022 = arith.constant 0 : i32
        %dma_wait3A_1023 = tpu.memref_slice %arg4[%dma_wait3A_1017, %mul3A_2, %dma_wait3A_1022] : memref<50x4096x128xf32, #tpu.memory_space<hbm>> -> memref<1x64x128xf32, #tpu.memory_space<hbm>>
        %dma_wait3A_1024 = tpu.memref_squeeze %dma_wait3A_1023 : memref<1x64x128xf32, #tpu.memory_space<hbm>> -> memref<64x128xf32, #tpu.memory_space<hbm>>
        %dma_wait3A_1025 = arith.constant 0 : i32
        %dma_wait3A_1026 = tpu.memref_slice %arg4[%dma_wait3A_1017, %mul3A_2, %dma_wait3A_1025] : memref<50x4096x128xf32, #tpu.memory_space<hbm>> -> memref<1x64x128xf32, #tpu.memory_space<hbm>>
        %dma_wait3A_1027 = tpu.memref_squeeze %dma_wait3A_1026 : memref<1x64x128xf32, #tpu.memory_space<hbm>> -> memref<64x128xf32, #tpu.memory_space<hbm>>
        %dma_wait3A_1028 = arith.constant 0 : i32
        %dma_wait3A_1029 = arith.constant 0 : i32
        %dma_wait3A_1030 = tpu.memref_slice %arg6[%dma_wait3A_1016, %dma_wait3A_1028, %dma_wait3A_1029] : memref<10x64x128xf32, #tpu.memory_space<vmem>> -> memref<1x64x128xf32, #tpu.memory_space<vmem>>
        %dma_wait3A_1031 = tpu.memref_squeeze %dma_wait3A_1030 : memref<1x64x128xf32, #tpu.memory_space<vmem>> -> memref<64x128xf32, #tpu.memory_space<vmem>>
        tpu.wait_dma2 semaphore(%arg17 : memref<!tpu.dma_semaphore, #tpu.memory_space<semaphore_mem>>) src(%dma_wait3A_1031 : memref<64x128xf32, #tpu.memory_space<vmem>>) dst(%dma_wait3A_1027 : memref<64x128xf32, #tpu.memory_space<hbm>>)
        %dma_start3A_1032 = arith.constant 0 : i32
        %dma_start3A_1033 = arith.constant 0 : i32
        %dma_start3A_1034 = arith.constant 0 : i32
        %dma_start3A_1035 = tpu.memref_slice %arg6[%dma_start3A_1032, %dma_start3A_1033, %dma_start3A_1034] : memref<10x64x128xf32, #tpu.memory_space<vmem>> -> memref<1x64x128xf32, #tpu.memory_space<vmem>>
        %dma_start3A_1036 = tpu.memref_squeeze %dma_start3A_1035 : memref<1x64x128xf32, #tpu.memory_space<vmem>> -> memref<64x128xf32, #tpu.memory_space<vmem>>
        %dma_start3A_1037 = arith.constant 0 : i32
        %dma_start3A_1038 = tpu.memref_slice %arg5[%add3A_1015, %dma_start3A_1037] : memref<100x64xi32, #tpu.memory_space<vmem>> -> memref<1x64xi32, #tpu.memory_space<vmem>>
        %dma_start3A_1039 = tpu.memref_squeeze %dma_start3A_1038 : memref<1x64xi32, #tpu.memory_space<vmem>> -> memref<64xi32, #tpu.memory_space<vmem>>
        %dma_start3A_1040 = arith.constant 0 : i32
        %dma_start3A_1041 = arith.constant 0 : i32
        %dma_start3A_1042 = tpu.memref_slice %arg3[%dma_start3A_1040, %dma_start3A_1041] : memref<100000x128xf32, #tpu.memory_space<hbm>> -> memref<100000x128xf32, #tpu.memory_space<hbm>>
        tpu.enqueue_indirect_dma source(%dma_start3A_1042 : memref<100000x128xf32, #tpu.memory_space<hbm>>) target(%dma_start3A_1036 : memref<64x128xf32, #tpu.memory_space<vmem>>) offsets(%dma_start3A_1039 : memref<64xi32, #tpu.memory_space<vmem>>) semaphore(%arg7 : memref<!tpu.dma_semaphore, #tpu.memory_space<semaphore_mem>>)
        %add3A_1043 = arith.constant 1 : i32
        %add3A_1044 = arith.addi %scan3A_286, %add3A_1043 : i32
        %mul3A_1045 = arith.constant 10 : i32
        %mul3A_1046 = arith.muli %add3A_1044, %mul3A_1045 : i32
        %add3A_1047 = arith.constant 1 : i32
        %add3A_1048 = arith.addi %mul3A_1046, %add3A_1047 : i32
        %dma_wait3A_1049 = arith.constant 1 : i32
        %dma_wait3A_1050 = arith.constant 0 : i32
        %dma_wait3A_1051 = arith.constant 0 : i32
        %dma_wait3A_1052 = arith.constant 0 : i32
        %dma_wait3A_1053 = tpu.memref_slice %arg6[%dma_wait3A_1049, %dma_wait3A_1051, %dma_wait3A_1052] : memref<10x64x128xf32, #tpu.memory_space<vmem>> -> memref<1x64x128xf32, #tpu.memory_space<vmem>>
        %dma_wait3A_1054 = tpu.memref_squeeze %dma_wait3A_1053 : memref<1x64x128xf32, #tpu.memory_space<vmem>> -> memref<64x128xf32, #tpu.memory_space<vmem>>
        %dma_wait3A_1055 = arith.constant 0 : i32
        %dma_wait3A_1056 = tpu.memref_slice %arg4[%dma_wait3A_1050, %mul3A_2, %dma_wait3A_1055] : memref<50x4096x128xf32, #tpu.memory_space<hbm>> -> memref<1x64x128xf32, #tpu.memory_space<hbm>>
        %dma_wait3A_1057 = tpu.memref_squeeze %dma_wait3A_1056 : memref<1x64x128xf32, #tpu.memory_space<hbm>> -> memref<64x128xf32, #tpu.memory_space<hbm>>
        %dma_wait3A_1058 = arith.constant 0 : i32
        %dma_wait3A_1059 = tpu.memref_slice %arg4[%dma_wait3A_1050, %mul3A_2, %dma_wait3A_1058] : memref<50x4096x128xf32, #tpu.memory_space<hbm>> -> memref<1x64x128xf32, #tpu.memory_space<hbm>>
        %dma_wait3A_1060 = tpu.memref_squeeze %dma_wait3A_1059 : memref<1x64x128xf32, #tpu.memory_space<hbm>> -> memref<64x128xf32, #tpu.memory_space<hbm>>
        %dma_wait3A_1061 = arith.constant 0 : i32
        %dma_wait3A_1062 = arith.constant 0 : i32
        %dma_wait3A_1063 = tpu.memref_slice %arg6[%dma_wait3A_1049, %dma_wait3A_1061, %dma_wait3A_1062] : memref<10x64x128xf32, #tpu.memory_space<vmem>> -> memref<1x64x128xf32, #tpu.memory_space<vmem>>
        %dma_wait3A_1064 = tpu.memref_squeeze %dma_wait3A_1063 : memref<1x64x128xf32, #tpu.memory_space<vmem>> -> memref<64x128xf32, #tpu.memory_space<vmem>>
        tpu.wait_dma2 semaphore(%arg18 : memref<!tpu.dma_semaphore, #tpu.memory_space<semaphore_mem>>) src(%dma_wait3A_1064 : memref<64x128xf32, #tpu.memory_space<vmem>>) dst(%dma_wait3A_1060 : memref<64x128xf32, #tpu.memory_space<hbm>>)
        %dma_start3A_1065 = arith.constant 1 : i32
        %dma_start3A_1066 = arith.constant 0 : i32
        %dma_start3A_1067 = arith.constant 0 : i32
        %dma_start3A_1068 = tpu.memref_slice %arg6[%dma_start3A_1065, %dma_start3A_1066, %dma_start3A_1067] : memref<10x64x128xf32, #tpu.memory_space<vmem>> -> memref<1x64x128xf32, #tpu.memory_space<vmem>>
        %dma_start3A_1069 = tpu.memref_squeeze %dma_start3A_1068 : memref<1x64x128xf32, #tpu.memory_space<vmem>> -> memref<64x128xf32, #tpu.memory_space<vmem>>
        %dma_start3A_1070 = arith.constant 0 : i32
        %dma_start3A_1071 = tpu.memref_slice %arg5[%add3A_1048, %dma_start3A_1070] : memref<100x64xi32, #tpu.memory_space<vmem>> -> memref<1x64xi32, #tpu.memory_space<vmem>>
        %dma_start3A_1072 = tpu.memref_squeeze %dma_start3A_1071 : memref<1x64xi32, #tpu.memory_space<vmem>> -> memref<64xi32, #tpu.memory_space<vmem>>
        %dma_start3A_1073 = arith.constant 0 : i32
        %dma_start3A_1074 = arith.constant 0 : i32
        %dma_start3A_1075 = tpu.memref_slice %arg3[%dma_start3A_1073, %dma_start3A_1074] : memref<100000x128xf32, #tpu.memory_space<hbm>> -> memref<100000x128xf32, #tpu.memory_space<hbm>>
        tpu.enqueue_indirect_dma source(%dma_start3A_1075 : memref<100000x128xf32, #tpu.memory_space<hbm>>) target(%dma_start3A_1069 : memref<64x128xf32, #tpu.memory_space<vmem>>) offsets(%dma_start3A_1072 : memref<64xi32, #tpu.memory_space<vmem>>) semaphore(%arg8 : memref<!tpu.dma_semaphore, #tpu.memory_space<semaphore_mem>>)
        %add3A_1076 = arith.constant 1 : i32
        %add3A_1077 = arith.addi %scan3A_286, %add3A_1076 : i32
        %mul3A_1078 = arith.constant 10 : i32
        %mul3A_1079 = arith.muli %add3A_1077, %mul3A_1078 : i32
        %add3A_1080 = arith.constant 2 : i32
        %add3A_1081 = arith.addi %mul3A_1079, %add3A_1080 : i32
        %dma_wait3A_1082 = arith.constant 2 : i32
        %dma_wait3A_1083 = arith.constant 0 : i32
        %dma_wait3A_1084 = arith.constant 0 : i32
        %dma_wait3A_1085 = arith.constant 0 : i32
        %dma_wait3A_1086 = tpu.memref_slice %arg6[%dma_wait3A_1082, %dma_wait3A_1084, %dma_wait3A_1085] : memref<10x64x128xf32, #tpu.memory_space<vmem>> -> memref<1x64x128xf32, #tpu.memory_space<vmem>>
        %dma_wait3A_1087 = tpu.memref_squeeze %dma_wait3A_1086 : memref<1x64x128xf32, #tpu.memory_space<vmem>> -> memref<64x128xf32, #tpu.memory_space<vmem>>
        %dma_wait3A_1088 = arith.constant 0 : i32
        %dma_wait3A_1089 = tpu.memref_slice %arg4[%dma_wait3A_1083, %mul3A_2, %dma_wait3A_1088] : memref<50x4096x128xf32, #tpu.memory_space<hbm>> -> memref<1x64x128xf32, #tpu.memory_space<hbm>>
        %dma_wait3A_1090 = tpu.memref_squeeze %dma_wait3A_1089 : memref<1x64x128xf32, #tpu.memory_space<hbm>> -> memref<64x128xf32, #tpu.memory_space<hbm>>
        %dma_wait3A_1091 = arith.constant 0 : i32
        %dma_wait3A_1092 = tpu.memref_slice %arg4[%dma_wait3A_1083, %mul3A_2, %dma_wait3A_1091] : memref<50x4096x128xf32, #tpu.memory_space<hbm>> -> memref<1x64x128xf32, #tpu.memory_space<hbm>>
        %dma_wait3A_1093 = tpu.memref_squeeze %dma_wait3A_1092 : memref<1x64x128xf32, #tpu.memory_space<hbm>> -> memref<64x128xf32, #tpu.memory_space<hbm>>
        %dma_wait3A_1094 = arith.constant 0 : i32
        %dma_wait3A_1095 = arith.constant 0 : i32
        %dma_wait3A_1096 = tpu.memref_slice %arg6[%dma_wait3A_1082, %dma_wait3A_1094, %dma_wait3A_1095] : memref<10x64x128xf32, #tpu.memory_space<vmem>> -> memref<1x64x128xf32, #tpu.memory_space<vmem>>
        %dma_wait3A_1097 = tpu.memref_squeeze %dma_wait3A_1096 : memref<1x64x128xf32, #tpu.memory_space<vmem>> -> memref<64x128xf32, #tpu.memory_space<vmem>>
        tpu.wait_dma2 semaphore(%arg19 : memref<!tpu.dma_semaphore, #tpu.memory_space<semaphore_mem>>) src(%dma_wait3A_1097 : memref<64x128xf32, #tpu.memory_space<vmem>>) dst(%dma_wait3A_1093 : memref<64x128xf32, #tpu.memory_space<hbm>>)
        %dma_start3A_1098 = arith.constant 2 : i32
        %dma_start3A_1099 = arith.constant 0 : i32
        %dma_start3A_1100 = arith.constant 0 : i32
        %dma_start3A_1101 = tpu.memref_slice %arg6[%dma_start3A_1098, %dma_start3A_1099, %dma_start3A_1100] : memref<10x64x128xf32, #tpu.memory_space<vmem>> -> memref<1x64x128xf32, #tpu.memory_space<vmem>>
        %dma_start3A_1102 = tpu.memref_squeeze %dma_start3A_1101 : memref<1x64x128xf32, #tpu.memory_space<vmem>> -> memref<64x128xf32, #tpu.memory_space<vmem>>
        %dma_start3A_1103 = arith.constant 0 : i32
        %dma_start3A_1104 = tpu.memref_slice %arg5[%add3A_1081, %dma_start3A_1103] : memref<100x64xi32, #tpu.memory_space<vmem>> -> memref<1x64xi32, #tpu.memory_space<vmem>>
        %dma_start3A_1105 = tpu.memref_squeeze %dma_start3A_1104 : memref<1x64xi32, #tpu.memory_space<vmem>> -> memref<64xi32, #tpu.memory_space<vmem>>
        %dma_start3A_1106 = arith.constant 0 : i32
        %dma_start3A_1107 = arith.constant 0 : i32
        %dma_start3A_1108 = tpu.memref_slice %arg3[%dma_start3A_1106, %dma_start3A_1107] : memref<100000x128xf32, #tpu.memory_space<hbm>> -> memref<100000x128xf32, #tpu.memory_space<hbm>>
        tpu.enqueue_indirect_dma source(%dma_start3A_1108 : memref<100000x128xf32, #tpu.memory_space<hbm>>) target(%dma_start3A_1102 : memref<64x128xf32, #tpu.memory_space<vmem>>) offsets(%dma_start3A_1105 : memref<64xi32, #tpu.memory_space<vmem>>) semaphore(%arg9 : memref<!tpu.dma_semaphore, #tpu.memory_space<semaphore_mem>>)
        %add3A_1109 = arith.constant 1 : i32
        %add3A_1110 = arith.addi %scan3A_286, %add3A_1109 : i32
        %mul3A_1111 = arith.constant 10 : i32
        %mul3A_1112 = arith.muli %add3A_1110, %mul3A_1111 : i32
        %add3A_1113 = arith.constant 3 : i32
        %add3A_1114 = arith.addi %mul3A_1112, %add3A_1113 : i32
        %dma_wait3A_1115 = arith.constant 3 : i32
        %dma_wait3A_1116 = arith.constant 0 : i32
        %dma_wait3A_1117 = arith.constant 0 : i32
        %dma_wait3A_1118 = arith.constant 0 : i32
        %dma_wait3A_1119 = tpu.memref_slice %arg6[%dma_wait3A_1115, %dma_wait3A_1117, %dma_wait3A_1118] : memref<10x64x128xf32, #tpu.memory_space<vmem>> -> memref<1x64x128xf32, #tpu.memory_space<vmem>>
        %dma_wait3A_1120 = tpu.memref_squeeze %dma_wait3A_1119 : memref<1x64x128xf32, #tpu.memory_space<vmem>> -> memref<64x128xf32, #tpu.memory_space<vmem>>
        %dma_wait3A_1121 = arith.constant 0 : i32
        %dma_wait3A_1122 = tpu.memref_slice %arg4[%dma_wait3A_1116, %mul3A_2, %dma_wait3A_1121] : memref<50x4096x128xf32, #tpu.memory_space<hbm>> -> memref<1x64x128xf32, #tpu.memory_space<hbm>>
        %dma_wait3A_1123 = tpu.memref_squeeze %dma_wait3A_1122 : memref<1x64x128xf32, #tpu.memory_space<hbm>> -> memref<64x128xf32, #tpu.memory_space<hbm>>
        %dma_wait3A_1124 = arith.constant 0 : i32
        %dma_wait3A_1125 = tpu.memref_slice %arg4[%dma_wait3A_1116, %mul3A_2, %dma_wait3A_1124] : memref<50x4096x128xf32, #tpu.memory_space<hbm>> -> memref<1x64x128xf32, #tpu.memory_space<hbm>>
        %dma_wait3A_1126 = tpu.memref_squeeze %dma_wait3A_1125 : memref<1x64x128xf32, #tpu.memory_space<hbm>> -> memref<64x128xf32, #tpu.memory_space<hbm>>
        %dma_wait3A_1127 = arith.constant 0 : i32
        %dma_wait3A_1128 = arith.constant 0 : i32
        %dma_wait3A_1129 = tpu.memref_slice %arg6[%dma_wait3A_1115, %dma_wait3A_1127, %dma_wait3A_1128] : memref<10x64x128xf32, #tpu.memory_space<vmem>> -> memref<1x64x128xf32, #tpu.memory_space<vmem>>
        %dma_wait3A_1130 = tpu.memref_squeeze %dma_wait3A_1129 : memref<1x64x128xf32, #tpu.memory_space<vmem>> -> memref<64x128xf32, #tpu.memory_space<vmem>>
        tpu.wait_dma2 semaphore(%arg20 : memref<!tpu.dma_semaphore, #tpu.memory_space<semaphore_mem>>) src(%dma_wait3A_1130 : memref<64x128xf32, #tpu.memory_space<vmem>>) dst(%dma_wait3A_1126 : memref<64x128xf32, #tpu.memory_space<hbm>>)
        %dma_start3A_1131 = arith.constant 3 : i32
        %dma_start3A_1132 = arith.constant 0 : i32
        %dma_start3A_1133 = arith.constant 0 : i32
        %dma_start3A_1134 = tpu.memref_slice %arg6[%dma_start3A_1131, %dma_start3A_1132, %dma_start3A_1133] : memref<10x64x128xf32, #tpu.memory_space<vmem>> -> memref<1x64x128xf32, #tpu.memory_space<vmem>>
        %dma_start3A_1135 = tpu.memref_squeeze %dma_start3A_1134 : memref<1x64x128xf32, #tpu.memory_space<vmem>> -> memref<64x128xf32, #tpu.memory_space<vmem>>
        %dma_start3A_1136 = arith.constant 0 : i32
        %dma_start3A_1137 = tpu.memref_slice %arg5[%add3A_1114, %dma_start3A_1136] : memref<100x64xi32, #tpu.memory_space<vmem>> -> memref<1x64xi32, #tpu.memory_space<vmem>>
        %dma_start3A_1138 = tpu.memref_squeeze %dma_start3A_1137 : memref<1x64xi32, #tpu.memory_space<vmem>> -> memref<64xi32, #tpu.memory_space<vmem>>
        %dma_start3A_1139 = arith.constant 0 : i32
        %dma_start3A_1140 = arith.constant 0 : i32
        %dma_start3A_1141 = tpu.memref_slice %arg3[%dma_start3A_1139, %dma_start3A_1140] : memref<100000x128xf32, #tpu.memory_space<hbm>> -> memref<100000x128xf32, #tpu.memory_space<hbm>>
        tpu.enqueue_indirect_dma source(%dma_start3A_1141 : memref<100000x128xf32, #tpu.memory_space<hbm>>) target(%dma_start3A_1135 : memref<64x128xf32, #tpu.memory_space<vmem>>) offsets(%dma_start3A_1138 : memref<64xi32, #tpu.memory_space<vmem>>) semaphore(%arg10 : memref<!tpu.dma_semaphore, #tpu.memory_space<semaphore_mem>>)
        %add3A_1142 = arith.constant 1 : i32
        %add3A_1143 = arith.addi %scan3A_286, %add3A_1142 : i32
        %mul3A_1144 = arith.constant 10 : i32
        %mul3A_1145 = arith.muli %add3A_1143, %mul3A_1144 : i32
        %add3A_1146 = arith.constant 4 : i32
        %add3A_1147 = arith.addi %mul3A_1145, %add3A_1146 : i32
        %dma_wait3A_1148 = arith.constant 4 : i32
        %dma_wait3A_1149 = arith.constant 0 : i32
        %dma_wait3A_1150 = arith.constant 0 : i32
        %dma_wait3A_1151 = arith.constant 0 : i32
        %dma_wait3A_1152 = tpu.memref_slice %arg6[%dma_wait3A_1148, %dma_wait3A_1150, %dma_wait3A_1151] : memref<10x64x128xf32, #tpu.memory_space<vmem>> -> memref<1x64x128xf32, #tpu.memory_space<vmem>>
        %dma_wait3A_1153 = tpu.memref_squeeze %dma_wait3A_1152 : memref<1x64x128xf32, #tpu.memory_space<vmem>> -> memref<64x128xf32, #tpu.memory_space<vmem>>
        %dma_wait3A_1154 = arith.constant 0 : i32
        %dma_wait3A_1155 = tpu.memref_slice %arg4[%dma_wait3A_1149, %mul3A_2, %dma_wait3A_1154] : memref<50x4096x128xf32, #tpu.memory_space<hbm>> -> memref<1x64x128xf32, #tpu.memory_space<hbm>>
        %dma_wait3A_1156 = tpu.memref_squeeze %dma_wait3A_1155 : memref<1x64x128xf32, #tpu.memory_space<hbm>> -> memref<64x128xf32, #tpu.memory_space<hbm>>
        %dma_wait3A_1157 = arith.constant 0 : i32
        %dma_wait3A_1158 = tpu.memref_slice %arg4[%dma_wait3A_1149, %mul3A_2, %dma_wait3A_1157] : memref<50x4096x128xf32, #tpu.memory_space<hbm>> -> memref<1x64x128xf32, #tpu.memory_space<hbm>>
        %dma_wait3A_1159 = tpu.memref_squeeze %dma_wait3A_1158 : memref<1x64x128xf32, #tpu.memory_space<hbm>> -> memref<64x128xf32, #tpu.memory_space<hbm>>
        %dma_wait3A_1160 = arith.constant 0 : i32
        %dma_wait3A_1161 = arith.constant 0 : i32
        %dma_wait3A_1162 = tpu.memref_slice %arg6[%dma_wait3A_1148, %dma_wait3A_1160, %dma_wait3A_1161] : memref<10x64x128xf32, #tpu.memory_space<vmem>> -> memref<1x64x128xf32, #tpu.memory_space<vmem>>
        %dma_wait3A_1163 = tpu.memref_squeeze %dma_wait3A_1162 : memref<1x64x128xf32, #tpu.memory_space<vmem>> -> memref<64x128xf32, #tpu.memory_space<vmem>>
        tpu.wait_dma2 semaphore(%arg21 : memref<!tpu.dma_semaphore, #tpu.memory_space<semaphore_mem>>) src(%dma_wait3A_1163 : memref<64x128xf32, #tpu.memory_space<vmem>>) dst(%dma_wait3A_1159 : memref<64x128xf32, #tpu.memory_space<hbm>>)
        %dma_start3A_1164 = arith.constant 4 : i32
        %dma_start3A_1165 = arith.constant 0 : i32
        %dma_start3A_1166 = arith.constant 0 : i32
        %dma_start3A_1167 = tpu.memref_slice %arg6[%dma_start3A_1164, %dma_start3A_1165, %dma_start3A_1166] : memref<10x64x128xf32, #tpu.memory_space<vmem>> -> memref<1x64x128xf32, #tpu.memory_space<vmem>>
        %dma_start3A_1168 = tpu.memref_squeeze %dma_start3A_1167 : memref<1x64x128xf32, #tpu.memory_space<vmem>> -> memref<64x128xf32, #tpu.memory_space<vmem>>
        %dma_start3A_1169 = arith.constant 0 : i32
        %dma_start3A_1170 = tpu.memref_slice %arg5[%add3A_1147, %dma_start3A_1169] : memref<100x64xi32, #tpu.memory_space<vmem>> -> memref<1x64xi32, #tpu.memory_space<vmem>>
        %dma_start3A_1171 = tpu.memref_squeeze %dma_start3A_1170 : memref<1x64xi32, #tpu.memory_space<vmem>> -> memref<64xi32, #tpu.memory_space<vmem>>
        %dma_start3A_1172 = arith.constant 0 : i32
        %dma_start3A_1173 = arith.constant 0 : i32
        %dma_start3A_1174 = tpu.memref_slice %arg3[%dma_start3A_1172, %dma_start3A_1173] : memref<100000x128xf32, #tpu.memory_space<hbm>> -> memref<100000x128xf32, #tpu.memory_space<hbm>>
        tpu.enqueue_indirect_dma source(%dma_start3A_1174 : memref<100000x128xf32, #tpu.memory_space<hbm>>) target(%dma_start3A_1168 : memref<64x128xf32, #tpu.memory_space<vmem>>) offsets(%dma_start3A_1171 : memref<64xi32, #tpu.memory_space<vmem>>) semaphore(%arg11 : memref<!tpu.dma_semaphore, #tpu.memory_space<semaphore_mem>>)
        %add3A_1175 = arith.constant 1 : i32
        %add3A_1176 = arith.addi %scan3A_286, %add3A_1175 : i32
        %mul3A_1177 = arith.constant 10 : i32
        %mul3A_1178 = arith.muli %add3A_1176, %mul3A_1177 : i32
        %add3A_1179 = arith.constant 5 : i32
        %add3A_1180 = arith.addi %mul3A_1178, %add3A_1179 : i32
        %dma_wait3A_1181 = arith.constant 5 : i32
        %dma_wait3A_1182 = arith.constant 0 : i32
        %dma_wait3A_1183 = arith.constant 0 : i32
        %dma_wait3A_1184 = arith.constant 0 : i32
        %dma_wait3A_1185 = tpu.memref_slice %arg6[%dma_wait3A_1181, %dma_wait3A_1183, %dma_wait3A_1184] : memref<10x64x128xf32, #tpu.memory_space<vmem>> -> memref<1x64x128xf32, #tpu.memory_space<vmem>>
        %dma_wait3A_1186 = tpu.memref_squeeze %dma_wait3A_1185 : memref<1x64x128xf32, #tpu.memory_space<vmem>> -> memref<64x128xf32, #tpu.memory_space<vmem>>
        %dma_wait3A_1187 = arith.constant 0 : i32
        %dma_wait3A_1188 = tpu.memref_slice %arg4[%dma_wait3A_1182, %mul3A_2, %dma_wait3A_1187] : memref<50x4096x128xf32, #tpu.memory_space<hbm>> -> memref<1x64x128xf32, #tpu.memory_space<hbm>>
        %dma_wait3A_1189 = tpu.memref_squeeze %dma_wait3A_1188 : memref<1x64x128xf32, #tpu.memory_space<hbm>> -> memref<64x128xf32, #tpu.memory_space<hbm>>
        %dma_wait3A_1190 = arith.constant 0 : i32
        %dma_wait3A_1191 = tpu.memref_slice %arg4[%dma_wait3A_1182, %mul3A_2, %dma_wait3A_1190] : memref<50x4096x128xf32, #tpu.memory_space<hbm>> -> memref<1x64x128xf32, #tpu.memory_space<hbm>>
        %dma_wait3A_1192 = tpu.memref_squeeze %dma_wait3A_1191 : memref<1x64x128xf32, #tpu.memory_space<hbm>> -> memref<64x128xf32, #tpu.memory_space<hbm>>
        %dma_wait3A_1193 = arith.constant 0 : i32
        %dma_wait3A_1194 = arith.constant 0 : i32
        %dma_wait3A_1195 = tpu.memref_slice %arg6[%dma_wait3A_1181, %dma_wait3A_1193, %dma_wait3A_1194] : memref<10x64x128xf32, #tpu.memory_space<vmem>> -> memref<1x64x128xf32, #tpu.memory_space<vmem>>
        %dma_wait3A_1196 = tpu.memref_squeeze %dma_wait3A_1195 : memref<1x64x128xf32, #tpu.memory_space<vmem>> -> memref<64x128xf32, #tpu.memory_space<vmem>>
        tpu.wait_dma2 semaphore(%arg22 : memref<!tpu.dma_semaphore, #tpu.memory_space<semaphore_mem>>) src(%dma_wait3A_1196 : memref<64x128xf32, #tpu.memory_space<vmem>>) dst(%dma_wait3A_1192 : memref<64x128xf32, #tpu.memory_space<hbm>>)
        %dma_start3A_1197 = arith.constant 5 : i32
        %dma_start3A_1198 = arith.constant 0 : i32
        %dma_start3A_1199 = arith.constant 0 : i32
        %dma_start3A_1200 = tpu.memref_slice %arg6[%dma_start3A_1197, %dma_start3A_1198, %dma_start3A_1199] : memref<10x64x128xf32, #tpu.memory_space<vmem>> -> memref<1x64x128xf32, #tpu.memory_space<vmem>>
        %dma_start3A_1201 = tpu.memref_squeeze %dma_start3A_1200 : memref<1x64x128xf32, #tpu.memory_space<vmem>> -> memref<64x128xf32, #tpu.memory_space<vmem>>
        %dma_start3A_1202 = arith.constant 0 : i32
        %dma_start3A_1203 = tpu.memref_slice %arg5[%add3A_1180, %dma_start3A_1202] : memref<100x64xi32, #tpu.memory_space<vmem>> -> memref<1x64xi32, #tpu.memory_space<vmem>>
        %dma_start3A_1204 = tpu.memref_squeeze %dma_start3A_1203 : memref<1x64xi32, #tpu.memory_space<vmem>> -> memref<64xi32, #tpu.memory_space<vmem>>
        %dma_start3A_1205 = arith.constant 0 : i32
        %dma_start3A_1206 = arith.constant 0 : i32
        %dma_start3A_1207 = tpu.memref_slice %arg3[%dma_start3A_1205, %dma_start3A_1206] : memref<100000x128xf32, #tpu.memory_space<hbm>> -> memref<100000x128xf32, #tpu.memory_space<hbm>>
        tpu.enqueue_indirect_dma source(%dma_start3A_1207 : memref<100000x128xf32, #tpu.memory_space<hbm>>) target(%dma_start3A_1201 : memref<64x128xf32, #tpu.memory_space<vmem>>) offsets(%dma_start3A_1204 : memref<64xi32, #tpu.memory_space<vmem>>) semaphore(%arg12 : memref<!tpu.dma_semaphore, #tpu.memory_space<semaphore_mem>>)
        %add3A_1208 = arith.constant 1 : i32
        %add3A_1209 = arith.addi %scan3A_286, %add3A_1208 : i32
        %mul3A_1210 = arith.constant 10 : i32
        %mul3A_1211 = arith.muli %add3A_1209, %mul3A_1210 : i32
        %add3A_1212 = arith.constant 6 : i32
        %add3A_1213 = arith.addi %mul3A_1211, %add3A_1212 : i32
        %dma_wait3A_1214 = arith.constant 6 : i32
        %dma_wait3A_1215 = arith.constant 0 : i32
        %dma_wait3A_1216 = arith.constant 0 : i32
        %dma_wait3A_1217 = arith.constant 0 : i32
        %dma_wait3A_1218 = tpu.memref_slice %arg6[%dma_wait3A_1214, %dma_wait3A_1216, %dma_wait3A_1217] : memref<10x64x128xf32, #tpu.memory_space<vmem>> -> memref<1x64x128xf32, #tpu.memory_space<vmem>>
        %dma_wait3A_1219 = tpu.memref_squeeze %dma_wait3A_1218 : memref<1x64x128xf32, #tpu.memory_space<vmem>> -> memref<64x128xf32, #tpu.memory_space<vmem>>
        %dma_wait3A_1220 = arith.constant 0 : i32
        %dma_wait3A_1221 = tpu.memref_slice %arg4[%dma_wait3A_1215, %mul3A_2, %dma_wait3A_1220] : memref<50x4096x128xf32, #tpu.memory_space<hbm>> -> memref<1x64x128xf32, #tpu.memory_space<hbm>>
        %dma_wait3A_1222 = tpu.memref_squeeze %dma_wait3A_1221 : memref<1x64x128xf32, #tpu.memory_space<hbm>> -> memref<64x128xf32, #tpu.memory_space<hbm>>
        %dma_wait3A_1223 = arith.constant 0 : i32
        %dma_wait3A_1224 = tpu.memref_slice %arg4[%dma_wait3A_1215, %mul3A_2, %dma_wait3A_1223] : memref<50x4096x128xf32, #tpu.memory_space<hbm>> -> memref<1x64x128xf32, #tpu.memory_space<hbm>>
        %dma_wait3A_1225 = tpu.memref_squeeze %dma_wait3A_1224 : memref<1x64x128xf32, #tpu.memory_space<hbm>> -> memref<64x128xf32, #tpu.memory_space<hbm>>
        %dma_wait3A_1226 = arith.constant 0 : i32
        %dma_wait3A_1227 = arith.constant 0 : i32
        %dma_wait3A_1228 = tpu.memref_slice %arg6[%dma_wait3A_1214, %dma_wait3A_1226, %dma_wait3A_1227] : memref<10x64x128xf32, #tpu.memory_space<vmem>> -> memref<1x64x128xf32, #tpu.memory_space<vmem>>
        %dma_wait3A_1229 = tpu.memref_squeeze %dma_wait3A_1228 : memref<1x64x128xf32, #tpu.memory_space<vmem>> -> memref<64x128xf32, #tpu.memory_space<vmem>>
        tpu.wait_dma2 semaphore(%arg23 : memref<!tpu.dma_semaphore, #tpu.memory_space<semaphore_mem>>) src(%dma_wait3A_1229 : memref<64x128xf32, #tpu.memory_space<vmem>>) dst(%dma_wait3A_1225 : memref<64x128xf32, #tpu.memory_space<hbm>>)
        %dma_start3A_1230 = arith.constant 6 : i32
        %dma_start3A_1231 = arith.constant 0 : i32
        %dma_start3A_1232 = arith.constant 0 : i32
        %dma_start3A_1233 = tpu.memref_slice %arg6[%dma_start3A_1230, %dma_start3A_1231, %dma_start3A_1232] : memref<10x64x128xf32, #tpu.memory_space<vmem>> -> memref<1x64x128xf32, #tpu.memory_space<vmem>>
        %dma_start3A_1234 = tpu.memref_squeeze %dma_start3A_1233 : memref<1x64x128xf32, #tpu.memory_space<vmem>> -> memref<64x128xf32, #tpu.memory_space<vmem>>
        %dma_start3A_1235 = arith.constant 0 : i32
        %dma_start3A_1236 = tpu.memref_slice %arg5[%add3A_1213, %dma_start3A_1235] : memref<100x64xi32, #tpu.memory_space<vmem>> -> memref<1x64xi32, #tpu.memory_space<vmem>>
        %dma_start3A_1237 = tpu.memref_squeeze %dma_start3A_1236 : memref<1x64xi32, #tpu.memory_space<vmem>> -> memref<64xi32, #tpu.memory_space<vmem>>
        %dma_start3A_1238 = arith.constant 0 : i32
        %dma_start3A_1239 = arith.constant 0 : i32
        %dma_start3A_1240 = tpu.memref_slice %arg3[%dma_start3A_1238, %dma_start3A_1239] : memref<100000x128xf32, #tpu.memory_space<hbm>> -> memref<100000x128xf32, #tpu.memory_space<hbm>>
        tpu.enqueue_indirect_dma source(%dma_start3A_1240 : memref<100000x128xf32, #tpu.memory_space<hbm>>) target(%dma_start3A_1234 : memref<64x128xf32, #tpu.memory_space<vmem>>) offsets(%dma_start3A_1237 : memref<64xi32, #tpu.memory_space<vmem>>) semaphore(%arg13 : memref<!tpu.dma_semaphore, #tpu.memory_space<semaphore_mem>>)
        %add3A_1241 = arith.constant 1 : i32
        %add3A_1242 = arith.addi %scan3A_286, %add3A_1241 : i32
        %mul3A_1243 = arith.constant 10 : i32
        %mul3A_1244 = arith.muli %add3A_1242, %mul3A_1243 : i32
        %add3A_1245 = arith.constant 7 : i32
        %add3A_1246 = arith.addi %mul3A_1244, %add3A_1245 : i32
        %dma_wait3A_1247 = arith.constant 7 : i32
        %dma_wait3A_1248 = arith.constant 0 : i32
        %dma_wait3A_1249 = arith.constant 0 : i32
        %dma_wait3A_1250 = arith.constant 0 : i32
        %dma_wait3A_1251 = tpu.memref_slice %arg6[%dma_wait3A_1247, %dma_wait3A_1249, %dma_wait3A_1250] : memref<10x64x128xf32, #tpu.memory_space<vmem>> -> memref<1x64x128xf32, #tpu.memory_space<vmem>>
        %dma_wait3A_1252 = tpu.memref_squeeze %dma_wait3A_1251 : memref<1x64x128xf32, #tpu.memory_space<vmem>> -> memref<64x128xf32, #tpu.memory_space<vmem>>
        %dma_wait3A_1253 = arith.constant 0 : i32
        %dma_wait3A_1254 = tpu.memref_slice %arg4[%dma_wait3A_1248, %mul3A_2, %dma_wait3A_1253] : memref<50x4096x128xf32, #tpu.memory_space<hbm>> -> memref<1x64x128xf32, #tpu.memory_space<hbm>>
        %dma_wait3A_1255 = tpu.memref_squeeze %dma_wait3A_1254 : memref<1x64x128xf32, #tpu.memory_space<hbm>> -> memref<64x128xf32, #tpu.memory_space<hbm>>
        %dma_wait3A_1256 = arith.constant 0 : i32
        %dma_wait3A_1257 = tpu.memref_slice %arg4[%dma_wait3A_1248, %mul3A_2, %dma_wait3A_1256] : memref<50x4096x128xf32, #tpu.memory_space<hbm>> -> memref<1x64x128xf32, #tpu.memory_space<hbm>>
        %dma_wait3A_1258 = tpu.memref_squeeze %dma_wait3A_1257 : memref<1x64x128xf32, #tpu.memory_space<hbm>> -> memref<64x128xf32, #tpu.memory_space<hbm>>
        %dma_wait3A_1259 = arith.constant 0 : i32
        %dma_wait3A_1260 = arith.constant 0 : i32
        %dma_wait3A_1261 = tpu.memref_slice %arg6[%dma_wait3A_1247, %dma_wait3A_1259, %dma_wait3A_1260] : memref<10x64x128xf32, #tpu.memory_space<vmem>> -> memref<1x64x128xf32, #tpu.memory_space<vmem>>
        %dma_wait3A_1262 = tpu.memref_squeeze %dma_wait3A_1261 : memref<1x64x128xf32, #tpu.memory_space<vmem>> -> memref<64x128xf32, #tpu.memory_space<vmem>>
        tpu.wait_dma2 semaphore(%arg24 : memref<!tpu.dma_semaphore, #tpu.memory_space<semaphore_mem>>) src(%dma_wait3A_1262 : memref<64x128xf32, #tpu.memory_space<vmem>>) dst(%dma_wait3A_1258 : memref<64x128xf32, #tpu.memory_space<hbm>>)
        %dma_start3A_1263 = arith.constant 7 : i32
        %dma_start3A_1264 = arith.constant 0 : i32
        %dma_start3A_1265 = arith.constant 0 : i32
        %dma_start3A_1266 = tpu.memref_slice %arg6[%dma_start3A_1263, %dma_start3A_1264, %dma_start3A_1265] : memref<10x64x128xf32, #tpu.memory_space<vmem>> -> memref<1x64x128xf32, #tpu.memory_space<vmem>>
        %dma_start3A_1267 = tpu.memref_squeeze %dma_start3A_1266 : memref<1x64x128xf32, #tpu.memory_space<vmem>> -> memref<64x128xf32, #tpu.memory_space<vmem>>
        %dma_start3A_1268 = arith.constant 0 : i32
        %dma_start3A_1269 = tpu.memref_slice %arg5[%add3A_1246, %dma_start3A_1268] : memref<100x64xi32, #tpu.memory_space<vmem>> -> memref<1x64xi32, #tpu.memory_space<vmem>>
        %dma_start3A_1270 = tpu.memref_squeeze %dma_start3A_1269 : memref<1x64xi32, #tpu.memory_space<vmem>> -> memref<64xi32, #tpu.memory_space<vmem>>
        %dma_start3A_1271 = arith.constant 0 : i32
        %dma_start3A_1272 = arith.constant 0 : i32
        %dma_start3A_1273 = tpu.memref_slice %arg3[%dma_start3A_1271, %dma_start3A_1272] : memref<100000x128xf32, #tpu.memory_space<hbm>> -> memref<100000x128xf32, #tpu.memory_space<hbm>>
        tpu.enqueue_indirect_dma source(%dma_start3A_1273 : memref<100000x128xf32, #tpu.memory_space<hbm>>) target(%dma_start3A_1267 : memref<64x128xf32, #tpu.memory_space<vmem>>) offsets(%dma_start3A_1270 : memref<64xi32, #tpu.memory_space<vmem>>) semaphore(%arg14 : memref<!tpu.dma_semaphore, #tpu.memory_space<semaphore_mem>>)
        %add3A_1274 = arith.constant 1 : i32
        %add3A_1275 = arith.addi %scan3A_286, %add3A_1274 : i32
        %mul3A_1276 = arith.constant 10 : i32
        %mul3A_1277 = arith.muli %add3A_1275, %mul3A_1276 : i32
        %add3A_1278 = arith.constant 8 : i32
        %add3A_1279 = arith.addi %mul3A_1277, %add3A_1278 : i32
        %dma_wait3A_1280 = arith.constant 8 : i32
        %dma_wait3A_1281 = arith.constant 0 : i32
        %dma_wait3A_1282 = arith.constant 0 : i32
        %dma_wait3A_1283 = arith.constant 0 : i32
        %dma_wait3A_1284 = tpu.memref_slice %arg6[%dma_wait3A_1280, %dma_wait3A_1282, %dma_wait3A_1283] : memref<10x64x128xf32, #tpu.memory_space<vmem>> -> memref<1x64x128xf32, #tpu.memory_space<vmem>>
        %dma_wait3A_1285 = tpu.memref_squeeze %dma_wait3A_1284 : memref<1x64x128xf32, #tpu.memory_space<vmem>> -> memref<64x128xf32, #tpu.memory_space<vmem>>
        %dma_wait3A_1286 = arith.constant 0 : i32
        %dma_wait3A_1287 = tpu.memref_slice %arg4[%dma_wait3A_1281, %mul3A_2, %dma_wait3A_1286] : memref<50x4096x128xf32, #tpu.memory_space<hbm>> -> memref<1x64x128xf32, #tpu.memory_space<hbm>>
        %dma_wait3A_1288 = tpu.memref_squeeze %dma_wait3A_1287 : memref<1x64x128xf32, #tpu.memory_space<hbm>> -> memref<64x128xf32, #tpu.memory_space<hbm>>
        %dma_wait3A_1289 = arith.constant 0 : i32
        %dma_wait3A_1290 = tpu.memref_slice %arg4[%dma_wait3A_1281, %mul3A_2, %dma_wait3A_1289] : memref<50x4096x128xf32, #tpu.memory_space<hbm>> -> memref<1x64x128xf32, #tpu.memory_space<hbm>>
        %dma_wait3A_1291 = tpu.memref_squeeze %dma_wait3A_1290 : memref<1x64x128xf32, #tpu.memory_space<hbm>> -> memref<64x128xf32, #tpu.memory_space<hbm>>
        %dma_wait3A_1292 = arith.constant 0 : i32
        %dma_wait3A_1293 = arith.constant 0 : i32
        %dma_wait3A_1294 = tpu.memref_slice %arg6[%dma_wait3A_1280, %dma_wait3A_1292, %dma_wait3A_1293] : memref<10x64x128xf32, #tpu.memory_space<vmem>> -> memref<1x64x128xf32, #tpu.memory_space<vmem>>
        %dma_wait3A_1295 = tpu.memref_squeeze %dma_wait3A_1294 : memref<1x64x128xf32, #tpu.memory_space<vmem>> -> memref<64x128xf32, #tpu.memory_space<vmem>>
        tpu.wait_dma2 semaphore(%arg25 : memref<!tpu.dma_semaphore, #tpu.memory_space<semaphore_mem>>) src(%dma_wait3A_1295 : memref<64x128xf32, #tpu.memory_space<vmem>>) dst(%dma_wait3A_1291 : memref<64x128xf32, #tpu.memory_space<hbm>>)
        %dma_start3A_1296 = arith.constant 8 : i32
        %dma_start3A_1297 = arith.constant 0 : i32
        %dma_start3A_1298 = arith.constant 0 : i32
        %dma_start3A_1299 = tpu.memref_slice %arg6[%dma_start3A_1296, %dma_start3A_1297, %dma_start3A_1298] : memref<10x64x128xf32, #tpu.memory_space<vmem>> -> memref<1x64x128xf32, #tpu.memory_space<vmem>>
        %dma_start3A_1300 = tpu.memref_squeeze %dma_start3A_1299 : memref<1x64x128xf32, #tpu.memory_space<vmem>> -> memref<64x128xf32, #tpu.memory_space<vmem>>
        %dma_start3A_1301 = arith.constant 0 : i32
        %dma_start3A_1302 = tpu.memref_slice %arg5[%add3A_1279, %dma_start3A_1301] : memref<100x64xi32, #tpu.memory_space<vmem>> -> memref<1x64xi32, #tpu.memory_space<vmem>>
        %dma_start3A_1303 = tpu.memref_squeeze %dma_start3A_1302 : memref<1x64xi32, #tpu.memory_space<vmem>> -> memref<64xi32, #tpu.memory_space<vmem>>
        %dma_start3A_1304 = arith.constant 0 : i32
        %dma_start3A_1305 = arith.constant 0 : i32
        %dma_start3A_1306 = tpu.memref_slice %arg3[%dma_start3A_1304, %dma_start3A_1305] : memref<100000x128xf32, #tpu.memory_space<hbm>> -> memref<100000x128xf32, #tpu.memory_space<hbm>>
        tpu.enqueue_indirect_dma source(%dma_start3A_1306 : memref<100000x128xf32, #tpu.memory_space<hbm>>) target(%dma_start3A_1300 : memref<64x128xf32, #tpu.memory_space<vmem>>) offsets(%dma_start3A_1303 : memref<64xi32, #tpu.memory_space<vmem>>) semaphore(%arg15 : memref<!tpu.dma_semaphore, #tpu.memory_space<semaphore_mem>>)
        %add3A_1307 = arith.constant 1 : i32
        %add3A_1308 = arith.addi %scan3A_286, %add3A_1307 : i32
        %mul3A_1309 = arith.constant 10 : i32
        %mul3A_1310 = arith.muli %add3A_1308, %mul3A_1309 : i32
        %add3A_1311 = arith.constant 9 : i32
        %add3A_1312 = arith.addi %mul3A_1310, %add3A_1311 : i32
        %dma_wait3A_1313 = arith.constant 9 : i32
        %dma_wait3A_1314 = arith.constant 0 : i32
        %dma_wait3A_1315 = arith.constant 0 : i32
        %dma_wait3A_1316 = arith.constant 0 : i32
        %dma_wait3A_1317 = tpu.memref_slice %arg6[%dma_wait3A_1313, %dma_wait3A_1315, %dma_wait3A_1316] : memref<10x64x128xf32, #tpu.memory_space<vmem>> -> memref<1x64x128xf32, #tpu.memory_space<vmem>>
        %dma_wait3A_1318 = tpu.memref_squeeze %dma_wait3A_1317 : memref<1x64x128xf32, #tpu.memory_space<vmem>> -> memref<64x128xf32, #tpu.memory_space<vmem>>
        %dma_wait3A_1319 = arith.constant 0 : i32
        %dma_wait3A_1320 = tpu.memref_slice %arg4[%dma_wait3A_1314, %mul3A_2, %dma_wait3A_1319] : memref<50x4096x128xf32, #tpu.memory_space<hbm>> -> memref<1x64x128xf32, #tpu.memory_space<hbm>>
        %dma_wait3A_1321 = tpu.memref_squeeze %dma_wait3A_1320 : memref<1x64x128xf32, #tpu.memory_space<hbm>> -> memref<64x128xf32, #tpu.memory_space<hbm>>
        %dma_wait3A_1322 = arith.constant 0 : i32
        %dma_wait3A_1323 = tpu.memref_slice %arg4[%dma_wait3A_1314, %mul3A_2, %dma_wait3A_1322] : memref<50x4096x128xf32, #tpu.memory_space<hbm>> -> memref<1x64x128xf32, #tpu.memory_space<hbm>>
        %dma_wait3A_1324 = tpu.memref_squeeze %dma_wait3A_1323 : memref<1x64x128xf32, #tpu.memory_space<hbm>> -> memref<64x128xf32, #tpu.memory_space<hbm>>
        %dma_wait3A_1325 = arith.constant 0 : i32
        %dma_wait3A_1326 = arith.constant 0 : i32
        %dma_wait3A_1327 = tpu.memref_slice %arg6[%dma_wait3A_1313, %dma_wait3A_1325, %dma_wait3A_1326] : memref<10x64x128xf32, #tpu.memory_space<vmem>> -> memref<1x64x128xf32, #tpu.memory_space<vmem>>
        %dma_wait3A_1328 = tpu.memref_squeeze %dma_wait3A_1327 : memref<1x64x128xf32, #tpu.memory_space<vmem>> -> memref<64x128xf32, #tpu.memory_space<vmem>>
        tpu.wait_dma2 semaphore(%arg26 : memref<!tpu.dma_semaphore, #tpu.memory_space<semaphore_mem>>) src(%dma_wait3A_1328 : memref<64x128xf32, #tpu.memory_space<vmem>>) dst(%dma_wait3A_1324 : memref<64x128xf32, #tpu.memory_space<hbm>>)
        %dma_start3A_1329 = arith.constant 9 : i32
        %dma_start3A_1330 = arith.constant 0 : i32
        %dma_start3A_1331 = arith.constant 0 : i32
        %dma_start3A_1332 = tpu.memref_slice %arg6[%dma_start3A_1329, %dma_start3A_1330, %dma_start3A_1331] : memref<10x64x128xf32, #tpu.memory_space<vmem>> -> memref<1x64x128xf32, #tpu.memory_space<vmem>>
        %dma_start3A_1333 = tpu.memref_squeeze %dma_start3A_1332 : memref<1x64x128xf32, #tpu.memory_space<vmem>> -> memref<64x128xf32, #tpu.memory_space<vmem>>
        %dma_start3A_1334 = arith.constant 0 : i32
        %dma_start3A_1335 = tpu.memref_slice %arg5[%add3A_1312, %dma_start3A_1334] : memref<100x64xi32, #tpu.memory_space<vmem>> -> memref<1x64xi32, #tpu.memory_space<vmem>>
        %dma_start3A_1336 = tpu.memref_squeeze %dma_start3A_1335 : memref<1x64xi32, #tpu.memory_space<vmem>> -> memref<64xi32, #tpu.memory_space<vmem>>
        %dma_start3A_1337 = arith.constant 0 : i32
        %dma_start3A_1338 = arith.constant 0 : i32
        %dma_start3A_1339 = tpu.memref_slice %arg3[%dma_start3A_1337, %dma_start3A_1338] : memref<100000x128xf32, #tpu.memory_space<hbm>> -> memref<100000x128xf32, #tpu.memory_space<hbm>>
        tpu.enqueue_indirect_dma source(%dma_start3A_1339 : memref<100000x128xf32, #tpu.memory_space<hbm>>) target(%dma_start3A_1333 : memref<64x128xf32, #tpu.memory_space<vmem>>) offsets(%dma_start3A_1336 : memref<64xi32, #tpu.memory_space<vmem>>) semaphore(%arg16 : memref<!tpu.dma_semaphore, #tpu.memory_space<semaphore_mem>>)
      } else {
      }
    }
    %scan3A_126 = arith.constant 10 : i32
    %dma_wait3A = arith.constant 0 : i32
    %dma_wait3A_127 = arith.constant 0 : i32
    %dma_wait3A_128 = arith.constant 0 : i32
    %dma_wait3A_129 = arith.constant 0 : i32
    %dma_wait3A_130 = tpu.memref_slice %arg6[%dma_wait3A, %dma_wait3A_128, %dma_wait3A_129] : memref<10x64x128xf32, #tpu.memory_space<vmem>> -> memref<1x64x128xf32, #tpu.memory_space<vmem>>
    %dma_wait3A_131 = tpu.memref_squeeze %dma_wait3A_130 : memref<1x64x128xf32, #tpu.memory_space<vmem>> -> memref<64x128xf32, #tpu.memory_space<vmem>>
    %dma_wait3A_132 = arith.constant 0 : i32
    %dma_wait3A_133 = tpu.memref_slice %arg4[%dma_wait3A_127, %mul3A_2, %dma_wait3A_132] : memref<50x4096x128xf32, #tpu.memory_space<hbm>> -> memref<1x64x128xf32, #tpu.memory_space<hbm>>
    %dma_wait3A_134 = tpu.memref_squeeze %dma_wait3A_133 : memref<1x64x128xf32, #tpu.memory_space<hbm>> -> memref<64x128xf32, #tpu.memory_space<hbm>>
    %dma_wait3A_135 = arith.constant 0 : i32
    %dma_wait3A_136 = tpu.memref_slice %arg4[%dma_wait3A_127, %mul3A_2, %dma_wait3A_135] : memref<50x4096x128xf32, #tpu.memory_space<hbm>> -> memref<1x64x128xf32, #tpu.memory_space<hbm>>
    %dma_wait3A_137 = tpu.memref_squeeze %dma_wait3A_136 : memref<1x64x128xf32, #tpu.memory_space<hbm>> -> memref<64x128xf32, #tpu.memory_space<hbm>>
    %dma_wait3A_138 = arith.constant 0 : i32
    %dma_wait3A_139 = arith.constant 0 : i32
    %dma_wait3A_140 = tpu.memref_slice %arg6[%dma_wait3A, %dma_wait3A_138, %dma_wait3A_139] : memref<10x64x128xf32, #tpu.memory_space<vmem>> -> memref<1x64x128xf32, #tpu.memory_space<vmem>>
    %dma_wait3A_141 = tpu.memref_squeeze %dma_wait3A_140 : memref<1x64x128xf32, #tpu.memory_space<vmem>> -> memref<64x128xf32, #tpu.memory_space<vmem>>
    tpu.wait_dma2 semaphore(%arg17 : memref<!tpu.dma_semaphore, #tpu.memory_space<semaphore_mem>>) src(%dma_wait3A_141 : memref<64x128xf32, #tpu.memory_space<vmem>>) dst(%dma_wait3A_137 : memref<64x128xf32, #tpu.memory_space<hbm>>)
    %dma_wait3A_142 = arith.constant 1 : i32
    %dma_wait3A_143 = arith.constant 0 : i32
    %dma_wait3A_144 = arith.constant 0 : i32
    %dma_wait3A_145 = arith.constant 0 : i32
    %dma_wait3A_146 = tpu.memref_slice %arg6[%dma_wait3A_142, %dma_wait3A_144, %dma_wait3A_145] : memref<10x64x128xf32, #tpu.memory_space<vmem>> -> memref<1x64x128xf32, #tpu.memory_space<vmem>>
    %dma_wait3A_147 = tpu.memref_squeeze %dma_wait3A_146 : memref<1x64x128xf32, #tpu.memory_space<vmem>> -> memref<64x128xf32, #tpu.memory_space<vmem>>
    %dma_wait3A_148 = arith.constant 0 : i32
    %dma_wait3A_149 = tpu.memref_slice %arg4[%dma_wait3A_143, %mul3A_2, %dma_wait3A_148] : memref<50x4096x128xf32, #tpu.memory_space<hbm>> -> memref<1x64x128xf32, #tpu.memory_space<hbm>>
    %dma_wait3A_150 = tpu.memref_squeeze %dma_wait3A_149 : memref<1x64x128xf32, #tpu.memory_space<hbm>> -> memref<64x128xf32, #tpu.memory_space<hbm>>
    %dma_wait3A_151 = arith.constant 0 : i32
    %dma_wait3A_152 = tpu.memref_slice %arg4[%dma_wait3A_143, %mul3A_2, %dma_wait3A_151] : memref<50x4096x128xf32, #tpu.memory_space<hbm>> -> memref<1x64x128xf32, #tpu.memory_space<hbm>>
    %dma_wait3A_153 = tpu.memref_squeeze %dma_wait3A_152 : memref<1x64x128xf32, #tpu.memory_space<hbm>> -> memref<64x128xf32, #tpu.memory_space<hbm>>
    %dma_wait3A_154 = arith.constant 0 : i32
    %dma_wait3A_155 = arith.constant 0 : i32
    %dma_wait3A_156 = tpu.memref_slice %arg6[%dma_wait3A_142, %dma_wait3A_154, %dma_wait3A_155] : memref<10x64x128xf32, #tpu.memory_space<vmem>> -> memref<1x64x128xf32, #tpu.memory_space<vmem>>
    %dma_wait3A_157 = tpu.memref_squeeze %dma_wait3A_156 : memref<1x64x128xf32, #tpu.memory_space<vmem>> -> memref<64x128xf32, #tpu.memory_space<vmem>>
    tpu.wait_dma2 semaphore(%arg18 : memref<!tpu.dma_semaphore, #tpu.memory_space<semaphore_mem>>) src(%dma_wait3A_157 : memref<64x128xf32, #tpu.memory_space<vmem>>) dst(%dma_wait3A_153 : memref<64x128xf32, #tpu.memory_space<hbm>>)
    %dma_wait3A_158 = arith.constant 2 : i32
    %dma_wait3A_159 = arith.constant 0 : i32
    %dma_wait3A_160 = arith.constant 0 : i32
    %dma_wait3A_161 = arith.constant 0 : i32
    %dma_wait3A_162 = tpu.memref_slice %arg6[%dma_wait3A_158, %dma_wait3A_160, %dma_wait3A_161] : memref<10x64x128xf32, #tpu.memory_space<vmem>> -> memref<1x64x128xf32, #tpu.memory_space<vmem>>
    %dma_wait3A_163 = tpu.memref_squeeze %dma_wait3A_162 : memref<1x64x128xf32, #tpu.memory_space<vmem>> -> memref<64x128xf32, #tpu.memory_space<vmem>>
    %dma_wait3A_164 = arith.constant 0 : i32
    %dma_wait3A_165 = tpu.memref_slice %arg4[%dma_wait3A_159, %mul3A_2, %dma_wait3A_164] : memref<50x4096x128xf32, #tpu.memory_space<hbm>> -> memref<1x64x128xf32, #tpu.memory_space<hbm>>
    %dma_wait3A_166 = tpu.memref_squeeze %dma_wait3A_165 : memref<1x64x128xf32, #tpu.memory_space<hbm>> -> memref<64x128xf32, #tpu.memory_space<hbm>>
    %dma_wait3A_167 = arith.constant 0 : i32
    %dma_wait3A_168 = tpu.memref_slice %arg4[%dma_wait3A_159, %mul3A_2, %dma_wait3A_167] : memref<50x4096x128xf32, #tpu.memory_space<hbm>> -> memref<1x64x128xf32, #tpu.memory_space<hbm>>
    %dma_wait3A_169 = tpu.memref_squeeze %dma_wait3A_168 : memref<1x64x128xf32, #tpu.memory_space<hbm>> -> memref<64x128xf32, #tpu.memory_space<hbm>>
    %dma_wait3A_170 = arith.constant 0 : i32
    %dma_wait3A_171 = arith.constant 0 : i32
    %dma_wait3A_172 = tpu.memref_slice %arg6[%dma_wait3A_158, %dma_wait3A_170, %dma_wait3A_171] : memref<10x64x128xf32, #tpu.memory_space<vmem>> -> memref<1x64x128xf32, #tpu.memory_space<vmem>>
    %dma_wait3A_173 = tpu.memref_squeeze %dma_wait3A_172 : memref<1x64x128xf32, #tpu.memory_space<vmem>> -> memref<64x128xf32, #tpu.memory_space<vmem>>
    tpu.wait_dma2 semaphore(%arg19 : memref<!tpu.dma_semaphore, #tpu.memory_space<semaphore_mem>>) src(%dma_wait3A_173 : memref<64x128xf32, #tpu.memory_space<vmem>>) dst(%dma_wait3A_169 : memref<64x128xf32, #tpu.memory_space<hbm>>)
    %dma_wait3A_174 = arith.constant 3 : i32
    %dma_wait3A_175 = arith.constant 0 : i32
    %dma_wait3A_176 = arith.constant 0 : i32
    %dma_wait3A_177 = arith.constant 0 : i32
    %dma_wait3A_178 = tpu.memref_slice %arg6[%dma_wait3A_174, %dma_wait3A_176, %dma_wait3A_177] : memref<10x64x128xf32, #tpu.memory_space<vmem>> -> memref<1x64x128xf32, #tpu.memory_space<vmem>>
    %dma_wait3A_179 = tpu.memref_squeeze %dma_wait3A_178 : memref<1x64x128xf32, #tpu.memory_space<vmem>> -> memref<64x128xf32, #tpu.memory_space<vmem>>
    %dma_wait3A_180 = arith.constant 0 : i32
    %dma_wait3A_181 = tpu.memref_slice %arg4[%dma_wait3A_175, %mul3A_2, %dma_wait3A_180] : memref<50x4096x128xf32, #tpu.memory_space<hbm>> -> memref<1x64x128xf32, #tpu.memory_space<hbm>>
    %dma_wait3A_182 = tpu.memref_squeeze %dma_wait3A_181 : memref<1x64x128xf32, #tpu.memory_space<hbm>> -> memref<64x128xf32, #tpu.memory_space<hbm>>
    %dma_wait3A_183 = arith.constant 0 : i32
    %dma_wait3A_184 = tpu.memref_slice %arg4[%dma_wait3A_175, %mul3A_2, %dma_wait3A_183] : memref<50x4096x128xf32, #tpu.memory_space<hbm>> -> memref<1x64x128xf32, #tpu.memory_space<hbm>>
    %dma_wait3A_185 = tpu.memref_squeeze %dma_wait3A_184 : memref<1x64x128xf32, #tpu.memory_space<hbm>> -> memref<64x128xf32, #tpu.memory_space<hbm>>
    %dma_wait3A_186 = arith.constant 0 : i32
    %dma_wait3A_187 = arith.constant 0 : i32
    %dma_wait3A_188 = tpu.memref_slice %arg6[%dma_wait3A_174, %dma_wait3A_186, %dma_wait3A_187] : memref<10x64x128xf32, #tpu.memory_space<vmem>> -> memref<1x64x128xf32, #tpu.memory_space<vmem>>
    %dma_wait3A_189 = tpu.memref_squeeze %dma_wait3A_188 : memref<1x64x128xf32, #tpu.memory_space<vmem>> -> memref<64x128xf32, #tpu.memory_space<vmem>>
    tpu.wait_dma2 semaphore(%arg20 : memref<!tpu.dma_semaphore, #tpu.memory_space<semaphore_mem>>) src(%dma_wait3A_189 : memref<64x128xf32, #tpu.memory_space<vmem>>) dst(%dma_wait3A_185 : memref<64x128xf32, #tpu.memory_space<hbm>>)
    %dma_wait3A_190 = arith.constant 4 : i32
    %dma_wait3A_191 = arith.constant 0 : i32
    %dma_wait3A_192 = arith.constant 0 : i32
    %dma_wait3A_193 = arith.constant 0 : i32
    %dma_wait3A_194 = tpu.memref_slice %arg6[%dma_wait3A_190, %dma_wait3A_192, %dma_wait3A_193] : memref<10x64x128xf32, #tpu.memory_space<vmem>> -> memref<1x64x128xf32, #tpu.memory_space<vmem>>
    %dma_wait3A_195 = tpu.memref_squeeze %dma_wait3A_194 : memref<1x64x128xf32, #tpu.memory_space<vmem>> -> memref<64x128xf32, #tpu.memory_space<vmem>>
    %dma_wait3A_196 = arith.constant 0 : i32
    %dma_wait3A_197 = tpu.memref_slice %arg4[%dma_wait3A_191, %mul3A_2, %dma_wait3A_196] : memref<50x4096x128xf32, #tpu.memory_space<hbm>> -> memref<1x64x128xf32, #tpu.memory_space<hbm>>
    %dma_wait3A_198 = tpu.memref_squeeze %dma_wait3A_197 : memref<1x64x128xf32, #tpu.memory_space<hbm>> -> memref<64x128xf32, #tpu.memory_space<hbm>>
    %dma_wait3A_199 = arith.constant 0 : i32
    %dma_wait3A_200 = tpu.memref_slice %arg4[%dma_wait3A_191, %mul3A_2, %dma_wait3A_199] : memref<50x4096x128xf32, #tpu.memory_space<hbm>> -> memref<1x64x128xf32, #tpu.memory_space<hbm>>
    %dma_wait3A_201 = tpu.memref_squeeze %dma_wait3A_200 : memref<1x64x128xf32, #tpu.memory_space<hbm>> -> memref<64x128xf32, #tpu.memory_space<hbm>>
    %dma_wait3A_202 = arith.constant 0 : i32
    %dma_wait3A_203 = arith.constant 0 : i32
    %dma_wait3A_204 = tpu.memref_slice %arg6[%dma_wait3A_190, %dma_wait3A_202, %dma_wait3A_203] : memref<10x64x128xf32, #tpu.memory_space<vmem>> -> memref<1x64x128xf32, #tpu.memory_space<vmem>>
    %dma_wait3A_205 = tpu.memref_squeeze %dma_wait3A_204 : memref<1x64x128xf32, #tpu.memory_space<vmem>> -> memref<64x128xf32, #tpu.memory_space<vmem>>
    tpu.wait_dma2 semaphore(%arg21 : memref<!tpu.dma_semaphore, #tpu.memory_space<semaphore_mem>>) src(%dma_wait3A_205 : memref<64x128xf32, #tpu.memory_space<vmem>>) dst(%dma_wait3A_201 : memref<64x128xf32, #tpu.memory_space<hbm>>)
    %dma_wait3A_206 = arith.constant 5 : i32
    %dma_wait3A_207 = arith.constant 0 : i32
    %dma_wait3A_208 = arith.constant 0 : i32
    %dma_wait3A_209 = arith.constant 0 : i32
    %dma_wait3A_210 = tpu.memref_slice %arg6[%dma_wait3A_206, %dma_wait3A_208, %dma_wait3A_209] : memref<10x64x128xf32, #tpu.memory_space<vmem>> -> memref<1x64x128xf32, #tpu.memory_space<vmem>>
    %dma_wait3A_211 = tpu.memref_squeeze %dma_wait3A_210 : memref<1x64x128xf32, #tpu.memory_space<vmem>> -> memref<64x128xf32, #tpu.memory_space<vmem>>
    %dma_wait3A_212 = arith.constant 0 : i32
    %dma_wait3A_213 = tpu.memref_slice %arg4[%dma_wait3A_207, %mul3A_2, %dma_wait3A_212] : memref<50x4096x128xf32, #tpu.memory_space<hbm>> -> memref<1x64x128xf32, #tpu.memory_space<hbm>>
    %dma_wait3A_214 = tpu.memref_squeeze %dma_wait3A_213 : memref<1x64x128xf32, #tpu.memory_space<hbm>> -> memref<64x128xf32, #tpu.memory_space<hbm>>
    %dma_wait3A_215 = arith.constant 0 : i32
    %dma_wait3A_216 = tpu.memref_slice %arg4[%dma_wait3A_207, %mul3A_2, %dma_wait3A_215] : memref<50x4096x128xf32, #tpu.memory_space<hbm>> -> memref<1x64x128xf32, #tpu.memory_space<hbm>>
    %dma_wait3A_217 = tpu.memref_squeeze %dma_wait3A_216 : memref<1x64x128xf32, #tpu.memory_space<hbm>> -> memref<64x128xf32, #tpu.memory_space<hbm>>
    %dma_wait3A_218 = arith.constant 0 : i32
    %dma_wait3A_219 = arith.constant 0 : i32
    %dma_wait3A_220 = tpu.memref_slice %arg6[%dma_wait3A_206, %dma_wait3A_218, %dma_wait3A_219] : memref<10x64x128xf32, #tpu.memory_space<vmem>> -> memref<1x64x128xf32, #tpu.memory_space<vmem>>
    %dma_wait3A_221 = tpu.memref_squeeze %dma_wait3A_220 : memref<1x64x128xf32, #tpu.memory_space<vmem>> -> memref<64x128xf32, #tpu.memory_space<vmem>>
    tpu.wait_dma2 semaphore(%arg22 : memref<!tpu.dma_semaphore, #tpu.memory_space<semaphore_mem>>) src(%dma_wait3A_221 : memref<64x128xf32, #tpu.memory_space<vmem>>) dst(%dma_wait3A_217 : memref<64x128xf32, #tpu.memory_space<hbm>>)
    %dma_wait3A_222 = arith.constant 6 : i32
    %dma_wait3A_223 = arith.constant 0 : i32
    %dma_wait3A_224 = arith.constant 0 : i32
    %dma_wait3A_225 = arith.constant 0 : i32
    %dma_wait3A_226 = tpu.memref_slice %arg6[%dma_wait3A_222, %dma_wait3A_224, %dma_wait3A_225] : memref<10x64x128xf32, #tpu.memory_space<vmem>> -> memref<1x64x128xf32, #tpu.memory_space<vmem>>
    %dma_wait3A_227 = tpu.memref_squeeze %dma_wait3A_226 : memref<1x64x128xf32, #tpu.memory_space<vmem>> -> memref<64x128xf32, #tpu.memory_space<vmem>>
    %dma_wait3A_228 = arith.constant 0 : i32
    %dma_wait3A_229 = tpu.memref_slice %arg4[%dma_wait3A_223, %mul3A_2, %dma_wait3A_228] : memref<50x4096x128xf32, #tpu.memory_space<hbm>> -> memref<1x64x128xf32, #tpu.memory_space<hbm>>
    %dma_wait3A_230 = tpu.memref_squeeze %dma_wait3A_229 : memref<1x64x128xf32, #tpu.memory_space<hbm>> -> memref<64x128xf32, #tpu.memory_space<hbm>>
    %dma_wait3A_231 = arith.constant 0 : i32
    %dma_wait3A_232 = tpu.memref_slice %arg4[%dma_wait3A_223, %mul3A_2, %dma_wait3A_231] : memref<50x4096x128xf32, #tpu.memory_space<hbm>> -> memref<1x64x128xf32, #tpu.memory_space<hbm>>
    %dma_wait3A_233 = tpu.memref_squeeze %dma_wait3A_232 : memref<1x64x128xf32, #tpu.memory_space<hbm>> -> memref<64x128xf32, #tpu.memory_space<hbm>>
    %dma_wait3A_234 = arith.constant 0 : i32
    %dma_wait3A_235 = arith.constant 0 : i32
    %dma_wait3A_236 = tpu.memref_slice %arg6[%dma_wait3A_222, %dma_wait3A_234, %dma_wait3A_235] : memref<10x64x128xf32, #tpu.memory_space<vmem>> -> memref<1x64x128xf32, #tpu.memory_space<vmem>>
    %dma_wait3A_237 = tpu.memref_squeeze %dma_wait3A_236 : memref<1x64x128xf32, #tpu.memory_space<vmem>> -> memref<64x128xf32, #tpu.memory_space<vmem>>
    tpu.wait_dma2 semaphore(%arg23 : memref<!tpu.dma_semaphore, #tpu.memory_space<semaphore_mem>>) src(%dma_wait3A_237 : memref<64x128xf32, #tpu.memory_space<vmem>>) dst(%dma_wait3A_233 : memref<64x128xf32, #tpu.memory_space<hbm>>)
    %dma_wait3A_238 = arith.constant 7 : i32
    %dma_wait3A_239 = arith.constant 0 : i32
    %dma_wait3A_240 = arith.constant 0 : i32
    %dma_wait3A_241 = arith.constant 0 : i32
    %dma_wait3A_242 = tpu.memref_slice %arg6[%dma_wait3A_238, %dma_wait3A_240, %dma_wait3A_241] : memref<10x64x128xf32, #tpu.memory_space<vmem>> -> memref<1x64x128xf32, #tpu.memory_space<vmem>>
    %dma_wait3A_243 = tpu.memref_squeeze %dma_wait3A_242 : memref<1x64x128xf32, #tpu.memory_space<vmem>> -> memref<64x128xf32, #tpu.memory_space<vmem>>
    %dma_wait3A_244 = arith.constant 0 : i32
    %dma_wait3A_245 = tpu.memref_slice %arg4[%dma_wait3A_239, %mul3A_2, %dma_wait3A_244] : memref<50x4096x128xf32, #tpu.memory_space<hbm>> -> memref<1x64x128xf32, #tpu.memory_space<hbm>>
    %dma_wait3A_246 = tpu.memref_squeeze %dma_wait3A_245 : memref<1x64x128xf32, #tpu.memory_space<hbm>> -> memref<64x128xf32, #tpu.memory_space<hbm>>
    %dma_wait3A_247 = arith.constant 0 : i32
    %dma_wait3A_248 = tpu.memref_slice %arg4[%dma_wait3A_239, %mul3A_2, %dma_wait3A_247] : memref<50x4096x128xf32, #tpu.memory_space<hbm>> -> memref<1x64x128xf32, #tpu.memory_space<hbm>>
    %dma_wait3A_249 = tpu.memref_squeeze %dma_wait3A_248 : memref<1x64x128xf32, #tpu.memory_space<hbm>> -> memref<64x128xf32, #tpu.memory_space<hbm>>
    %dma_wait3A_250 = arith.constant 0 : i32
    %dma_wait3A_251 = arith.constant 0 : i32
    %dma_wait3A_252 = tpu.memref_slice %arg6[%dma_wait3A_238, %dma_wait3A_250, %dma_wait3A_251] : memref<10x64x128xf32, #tpu.memory_space<vmem>> -> memref<1x64x128xf32, #tpu.memory_space<vmem>>
    %dma_wait3A_253 = tpu.memref_squeeze %dma_wait3A_252 : memref<1x64x128xf32, #tpu.memory_space<vmem>> -> memref<64x128xf32, #tpu.memory_space<vmem>>
    tpu.wait_dma2 semaphore(%arg24 : memref<!tpu.dma_semaphore, #tpu.memory_space<semaphore_mem>>) src(%dma_wait3A_253 : memref<64x128xf32, #tpu.memory_space<vmem>>) dst(%dma_wait3A_249 : memref<64x128xf32, #tpu.memory_space<hbm>>)
    %dma_wait3A_254 = arith.constant 8 : i32
    %dma_wait3A_255 = arith.constant 0 : i32
    %dma_wait3A_256 = arith.constant 0 : i32
    %dma_wait3A_257 = arith.constant 0 : i32
    %dma_wait3A_258 = tpu.memref_slice %arg6[%dma_wait3A_254, %dma_wait3A_256, %dma_wait3A_257] : memref<10x64x128xf32, #tpu.memory_space<vmem>> -> memref<1x64x128xf32, #tpu.memory_space<vmem>>
    %dma_wait3A_259 = tpu.memref_squeeze %dma_wait3A_258 : memref<1x64x128xf32, #tpu.memory_space<vmem>> -> memref<64x128xf32, #tpu.memory_space<vmem>>
    %dma_wait3A_260 = arith.constant 0 : i32
    %dma_wait3A_261 = tpu.memref_slice %arg4[%dma_wait3A_255, %mul3A_2, %dma_wait3A_260] : memref<50x4096x128xf32, #tpu.memory_space<hbm>> -> memref<1x64x128xf32, #tpu.memory_space<hbm>>
    %dma_wait3A_262 = tpu.memref_squeeze %dma_wait3A_261 : memref<1x64x128xf32, #tpu.memory_space<hbm>> -> memref<64x128xf32, #tpu.memory_space<hbm>>
    %dma_wait3A_263 = arith.constant 0 : i32
    %dma_wait3A_264 = tpu.memref_slice %arg4[%dma_wait3A_255, %mul3A_2, %dma_wait3A_263] : memref<50x4096x128xf32, #tpu.memory_space<hbm>> -> memref<1x64x128xf32, #tpu.memory_space<hbm>>
    %dma_wait3A_265 = tpu.memref_squeeze %dma_wait3A_264 : memref<1x64x128xf32, #tpu.memory_space<hbm>> -> memref<64x128xf32, #tpu.memory_space<hbm>>
    %dma_wait3A_266 = arith.constant 0 : i32
    %dma_wait3A_267 = arith.constant 0 : i32
    %dma_wait3A_268 = tpu.memref_slice %arg6[%dma_wait3A_254, %dma_wait3A_266, %dma_wait3A_267] : memref<10x64x128xf32, #tpu.memory_space<vmem>> -> memref<1x64x128xf32, #tpu.memory_space<vmem>>
    %dma_wait3A_269 = tpu.memref_squeeze %dma_wait3A_268 : memref<1x64x128xf32, #tpu.memory_space<vmem>> -> memref<64x128xf32, #tpu.memory_space<vmem>>
    tpu.wait_dma2 semaphore(%arg25 : memref<!tpu.dma_semaphore, #tpu.memory_space<semaphore_mem>>) src(%dma_wait3A_269 : memref<64x128xf32, #tpu.memory_space<vmem>>) dst(%dma_wait3A_265 : memref<64x128xf32, #tpu.memory_space<hbm>>)
    %dma_wait3A_270 = arith.constant 9 : i32
    %dma_wait3A_271 = arith.constant 0 : i32
    %dma_wait3A_272 = arith.constant 0 : i32
    %dma_wait3A_273 = arith.constant 0 : i32
    %dma_wait3A_274 = tpu.memref_slice %arg6[%dma_wait3A_270, %dma_wait3A_272, %dma_wait3A_273] : memref<10x64x128xf32, #tpu.memory_space<vmem>> -> memref<1x64x128xf32, #tpu.memory_space<vmem>>
    %dma_wait3A_275 = tpu.memref_squeeze %dma_wait3A_274 : memref<1x64x128xf32, #tpu.memory_space<vmem>> -> memref<64x128xf32, #tpu.memory_space<vmem>>
    %dma_wait3A_276 = arith.constant 0 : i32
    %dma_wait3A_277 = tpu.memref_slice %arg4[%dma_wait3A_271, %mul3A_2, %dma_wait3A_276] : memref<50x4096x128xf32, #tpu.memory_space<hbm>> -> memref<1x64x128xf32, #tpu.memory_space<hbm>>
    %dma_wait3A_278 = tpu.memref_squeeze %dma_wait3A_277 : memref<1x64x128xf32, #tpu.memory_space<hbm>> -> memref<64x128xf32, #tpu.memory_space<hbm>>
    %dma_wait3A_279 = arith.constant 0 : i32
    %dma_wait3A_280 = tpu.memref_slice %arg4[%dma_wait3A_271, %mul3A_2, %dma_wait3A_279] : memref<50x4096x128xf32, #tpu.memory_space<hbm>> -> memref<1x64x128xf32, #tpu.memory_space<hbm>>
    %dma_wait3A_281 = tpu.memref_squeeze %dma_wait3A_280 : memref<1x64x128xf32, #tpu.memory_space<hbm>> -> memref<64x128xf32, #tpu.memory_space<hbm>>
    %dma_wait3A_282 = arith.constant 0 : i32
    %dma_wait3A_283 = arith.constant 0 : i32
    %dma_wait3A_284 = tpu.memref_slice %arg6[%dma_wait3A_270, %dma_wait3A_282, %dma_wait3A_283] : memref<10x64x128xf32, #tpu.memory_space<vmem>> -> memref<1x64x128xf32, #tpu.memory_space<vmem>>
    %dma_wait3A_285 = tpu.memref_squeeze %dma_wait3A_284 : memref<1x64x128xf32, #tpu.memory_space<vmem>> -> memref<64x128xf32, #tpu.memory_space<vmem>>
    tpu.wait_dma2 semaphore(%arg26 : memref<!tpu.dma_semaphore, #tpu.memory_space<semaphore_mem>>) src(%dma_wait3A_285 : memref<64x128xf32, #tpu.memory_space<vmem>>) dst(%dma_wait3A_281 : memref<64x128xf32, #tpu.memory_space<hbm>>)
    return
  }
}

</mosaic_0001>

<sc_bundles>
// kernel: kernel.3.cloned.1.call-start
scs
__scs_entry_jumppad:
0x0: {  	(pc) =	sbr.rel $0x88, $3  }
0x1: {  	(tag) =	ssettag $0x0;
	lr =	simm.s32 $0x1  }
0x2: {  	[smem:$0x3F9F] =	sst lr;
	_ =	strace $0xD0000000  }
0x3: {  	_ = 	snop  }
0x4: {  	_ = 	snop  }
0x5: {  	_ = 	snop  }
0x6: {  	_ = 	snop  }
0x7: {  	_ = 	snop  }
__scs_overlays_trampoline_lowered:
0x8: {  	[smem:$0x3FAE] =	sst s0  }
0x9: {  	[smem:$0x3FAF] =	sst s1  }
0xa: {  	[smem:$0x3FB0] =	sst s2  }
0xb: {  	[smem:$0x3FB1] =	sst s3  }
0xc: {  	[smem:$0x3FB2] =	sst s4  }
0xd: {  	[smem:$0x3FB3] =	sst s5  }
0xe: {  	[smem:$0x3FB4] =	sst s6  }
0xf: {  	[smem:$0x3FB5] =	sst s7  }
0x10: {  	[smem:$0x3FB6] =	sst s8  }
0x11: {  	[smem:$0x3FB7] =	sst s9;
	s0 =	simm.s32 @!p0 $0x0  }
0x12: {  	s1 =	sld [smem:$0x3F9D];
	s0 =	simm.s32 @p0 $0x1  }
0x13: {  	[smem:$0x3FB8] =	sst s0;
	s0 =	simm.s32 @!p1 $0x0  }
0x14: {  	s2 =	sld [smem:$0x3F9C];
	s0 =	simm.s32 @p1 $0x1  }
0x15: {  	[smem:$0x3FB9] =	sst s0;
	s0 =	simm.s32 @!p2 $0x0  }
0x16: {  	s3 =	sld [smem:$0x3FDB];
	s0 =	simm.s32 @p2 $0x1  }
0x17: {  	s4 =	simm.s32 $0x1BF5;
	[smem:$0x3FBB] =	sst s0  }
0x18: {  	s0 =	sld [smem:$0x3F9E];
	_ =	swait.ge [sflag:s4], $0x0  }
0x19: {  	s7 =	sld [smem:$0x3F9F]  }
0x1a: {  	s8 =	sadd.s32 $0xFFFFE003, lr  }
0x1b: {  	s9 =	sadd.s32 $0xFFFFFEF7, lr;
	s5 =	simm.s32 $0xFFFFFFFF;
	p2 =	slt.u32 s8, $0xFFFFF086  }
0x1c: {  	p1 =	slt.u32 s9, $0xF7A;
	s5 =	simm.s32 @!p2 $0x0  }
0x1d: {  	s5 =	simm.s32 @p1 $0x1;
	p0 =	seq.s32 s7, s2  }
0x1e: {  	s7 =	smul.u32 @!p0 $0xF7A, s2;
	p2 =	seq.s32 @!p0 s5, $0x0  }
0x1f: {  	s9 =	smul.u32 $0xF7A, s1;
	s8 =	simm.s32 @!p0 $0x1BF5;
	p2 =	por !p2, p0  }
0x20: {  	[sflag:s8] =	ssyncset.s32 @!p0 $0xFFFFF086;
	s6 =	sadd.s32 @!p0 s3, s7;
	s7 =	simm.s32 @!p0 $0x108  }
0x21: {  	s3 =	sadd.s32 s3, s9;
	s6 =	sadd.s32 @!p0 $0x88, s6;
	s7 =	simm.s32 @p2 $0x1082  }
0x22: {  	[simem:s7], [sflag:s8] =	dma.local @!p0 [hbm:s6], $0xF7A  }
0x23: {  	s9 =	sor.u32 $0xD0000000, s2;
	s6 =	simm.s32 $0x108;
	_ =	swait.ge @!p0 [sflag:s8], $0x0  }
0x24: {  	s3 =	sadd.s32 $0x88, s3;
	s6 =	simm.s32 @!p1 $0x1082;
	[sflag:s4] =	ssyncset.s32 $0xFFFFF086  }
0x25: {  	[simem:s6], [sflag:s4] =	dma.local [hbm:s3], $0xF7A  }
0x26: {  	[smem:$0x3F9F] =	sst s1;
	(tag) =	ssettag s2;
	_ =	strace s9  }
0x27: {  	s1 =	sld [smem:$0x3FAF]  }
0x28: {  	s2 =	sld [smem:$0x3FB0]  }
0x29: {  	s4 =	sld [smem:$0x3FB2]  }
0x2a: {  	p0 =	seq.s32 s5, $0x0;
	s5 =	sld [smem:$0x3FB3]  }
0x2b: {  	s6 =	sld [smem:$0x3FB4]  }
0x2c: {  	s7 =	sld [smem:$0x3FB5]  }
0x2d: {  	s3 =	simm.s32 $0x108;
	s8 =	sld [smem:$0x3FB6]  }
0x2e: {  	s3 =	simm.s32 @!p0 $0x1082;
	s9 =	sld [smem:$0x3FB7]  }
0x2f: {  	lr =	sadd.s32 s0, s3;
	s0 =	sld [smem:$0x3FAE]  }
0x30: {  	s3 =	sld [smem:$0x3FB1]  }
0x31: {  	[smem:$0x3FBA] =	sst s10  }
0x32: {  	s10 =	sld [smem:$0x3FB8];
	_ =	sdelay $0x3  }
0x33: {  	p0 =	seq.s32 s10, $0x1;
	s10 =	sld [smem:$0x3FBA];
	_ =	sdelay $0x3  }
0x34: {  	[smem:$0x3FBA] =	sst s10  }
0x35: {  	s10 =	sld [smem:$0x3FB9];
	_ =	sdelay $0x3  }
0x36: {  	p1 =	seq.s32 s10, $0x1;
	s10 =	sld [smem:$0x3FBA];
	_ =	sdelay $0x3  }
0x37: {  	[smem:$0x3FBA] =	sst s10  }
0x38: {  	s10 =	sld [smem:$0x3FBB]  }
0x39: {  	_ = 	snop;
	(pc) =	sbr.ind lr, $3  }
0x3a: {  	_ = 	snop  }
0x3b: {  	_ = 	snop  }
0x3c: {  	p2 =	seq.s32 s10, $0x1;
	s10 =	sld [smem:$0x3FBA]  }
0x3d: {  	_ =	shalt  }
0x3e: {  	_ =	shalt  }
0x3f: {  	_ =	shalt  }
0x40: {  	_ =	shalt  }
0x41: {  	_ =	shalt  }
0x42: {  	_ =	shalt  }
0x43: {  	_ =	shalt  }
0x44: {  	_ =	shalt  }
0x45: {  	_ =	shalt  }
0x46: {  	_ =	shalt  }
0x47: {  	_ =	shalt  }
0x48: {  	_ =	shalt  }
0x49: {  	_ =	shalt  }
0x4a: {  	_ =	shalt  }
0x4b: {  	_ =	shalt  }
0x4c: {  	_ =	shalt  }
0x4d: {  	_ =	shalt  }
0x4e: {  	_ =	shalt  }
0x4f: {  	_ =	shalt  }
0x50: {  	_ =	shalt  }
0x51: {  	_ =	shalt  }
0x52: {  	_ =	shalt  }
0x53: {  	_ =	shalt  }
0x54: {  	_ =	shalt  }
0x55: {  	_ =	shalt  }
0x56: {  	_ =	shalt  }
0x57: {  	_ =	shalt  }
0x58: {  	_ =	shalt  }
0x59: {  	_ =	shalt  }
0x5a: {  	_ =	shalt  }
0x5b: {  	_ =	shalt  }
0x5c: {  	_ =	shalt  }
0x5d: {  	_ =	shalt  }
0x5e: {  	_ =	shalt  }
0x5f: {  	_ =	shalt  }
0x60: {  	_ =	shalt  }
0x61: {  	_ =	shalt  }
0x62: {  	_ =	shalt  }
0x63: {  	_ =	shalt  }
0x64: {  	_ =	shalt  }
0x65: {  	_ =	shalt  }
0x66: {  	_ =	shalt  }
0x67: {  	_ =	shalt  }
0x68: {  	_ =	shalt  }
0x69: {  	_ =	shalt  }
0x6a: {  	_ =	shalt  }
0x6b: {  	_ =	shalt  }
0x6c: {  	_ =	shalt  }
0x6d: {  	_ =	shalt  }
0x6e: {  	_ =	shalt  }
0x6f: {  	_ =	shalt  }
0x70: {  	_ =	shalt  }
0x71: {  	_ =	shalt  }
0x72: {  	_ =	shalt  }
0x73: {  	_ =	shalt  }
0x74: {  	_ =	shalt  }
0x75: {  	_ =	shalt  }
0x76: {  	_ =	shalt  }
0x77: {  	_ =	shalt  }
0x78: {  	_ =	shalt  }
0x79: {  	_ =	shalt  }
0x7a: {  	_ =	shalt  }
0x7b: {  	_ =	shalt  }
0x7c: {  	_ =	shalt  }
0x7d: {  	_ =	shalt  }
0x7e: {  	_ =	shalt  }
0x7f: {  	_ =	shalt  }
0x80: {  	_ =	shalt  }
0x81: {  	_ =	shalt  }
0x82: {  	_ =	shalt  }
0x83: {  	_ =	shalt  }
0x84: {  	_ =	shalt  }
0x85: {  	_ =	shalt  }
0x86: {  	_ =	shalt  }
0x87: {  	_ =	shalt  }
.Lfunc_end0:
.L_simem_size_0:
called_computation_lowered:
.L_overlay_start_0:
0x88: {  	s2 =	sld [smem:$0x3FD9]  }
0x89: {  	s3 =	sld [smem:$0x3FFE];
	_ =	sdelay $0x1  }
0x8a: {  	s1 =	srdreg.scid  }
0x8b: {  	s0 =	sand.u32 $0x1, s1  }
0x8c: {  	s17 =	sshll.u32 s0, $0xA;
	s2 =	sadd.s32 s3, s2  }
0x8d: {  	s2 =	sadd.s32 s2, s17  }
0x8e: {  	[smem:$0x3FC6] =	sst s2  }
0x8f: {  	_ = 	snop  }
0x90: {  	s2 =	sld [smem:$0x3FC8]  }
0x91: {  	s18 =	sld [smem:$0x3FD0];
	(tm) =	ssettm $0x1  }
0x92: {  	s4 =	sld [smem:$0x3FFB];
	_ =	sdelay $0x3  }
0x93: {  	_ =	strace s4  }
0x94: {  	s4 =	sld [smem:$0x3FFC];
	_ =	sdelay $0x3  }
0x95: {  	_ =	strace s4  }
0x96: {  	s4 =	sld [smem:$0x3FFD];
	_ =	sdelay $0x3  }
0x97: {  	_ =	strace s4  }
0x98: {  	_ =	strace $0x8FFFFFFF  }
0x99: {  	s19 =	sld [smem:$0x3FDB];
	_ =	sdelay $0x1  }
0x9a: {  	s5 =	simm.s32 $_scs_section_size  }
0x9b: {  	s6 =	simm.s32 $_size__tile_overlayer_lowered;
	s7 =	simm.s32 $_tile_overlayer_lowered  }
0x9c: {  	s22 =	simm.s32 $0x1BFF;
	s21 =	sshll.u32 s7, $0x1;
	s4 =	sadd.s32 s5, s19  }
0x9d: {  	s8 =	simm.s32 $0x0;
	s20 =	sshll.u32 s6, $0x1;
	s6 =	sadd.s32 s21, s4  }
0x9e: {  	[timem:s8], [sflag:s22] =	dma.local [hbm:s6], s20  }
0x9f: {  	_ =	swait.ge [sflag:s22], s20  }
0xa0: {  	s5 =	ssub.s32 $0x0, s20;
	[sflag:s22] =	ssyncset.done $0x0  }
0xa1: {  	[sflag:s22] =	ssyncadd.s32 s5;
	_ =	sdelay $0x1  }
0xa2: {  	s23 =	simm.s32 $0x1B8B  }
0xa3: {  	_ =	swait.ge [sflag:s23], $0x1  }
0xa4: {  	[sflag:s23] =	ssyncset.done $0x0  }
0xa5: {  	s25 =	simm.s32 $0x1B8E;
	s24 =	sld [smem:$0x3FFE];
	[sflag:s23] =	ssyncadd.s32 $0xFFFFFFFF  }
0xa6: {  	s26 =	simm.s32 $execute0_lowered;
	[smem:$0x3FD2] =	sst s25  }
0xa7: {  	s6 =	sshll.u32 s26, $0x1;
	_ =	strace $0x80000046;
	[dreg:$0x1] =	wrdreg $0xFFFFFFFF  }
0xa8: {  	s28 =	simm.s32 $_size_execute0_lowered;
	s4 =	sadd.s32 s4, s6;
	[dreg:$0x0] =	wrdreg $0x0  }
0xa9: {  	s6 =	sshll.u32 s28, $0x1;
	[dreg:$0x2] =	wrdreg s4  }
0xaa: {  	[dreg:$0x3] =	wrdreg s6  }
0xab: {  	[dreg:$0x4] =	wrdreg $0xC0  }
0xac: {  	_ =	task [dreg:s8], $0x5FFFF  }
0xad: {  	[dreg:$0x1] =	wrdreg $0xFFFFFFFF  }
0xae: {  	[dreg:$0x0] =	wrdreg $0x60  }
0xaf: {  	[dreg:$0x2] =	wrdreg s24  }
0xb0: {  	[dreg:$0x3] =	wrdreg s2  }
0xb1: {  	[dreg:$0x4] =	wrdreg s18  }
0xb2: {  	[dreg:$0x5] =	wrdreg $0x9  }
0xb3: {  	_ =	task.clear_ibuf [dreg:s8], $0x6FFFF;
	_ =	strace $0x90000046  }
0xb4: {  	s29 =	simm.s32 $0x9;
	_ =	strace $0x80000048  }
0xb5: {  	_ =	swait.ge [sflag:s29], $0x1  }
0xb6: {  	[sflag:s29] =	ssyncadd.s32 $0xFFFFFFFF  }
0xb7: {  	_ =	strace $0x90000048  }
0xb8: {  	_ =	sfence  }
0xb9: {  	s30 =	sld [smem:$0x0];
	_ =	sdelay $0x2  }
0xba: {  	s31 =	sshll.u32 s1, $0xD;
	s1 =	sshrl.u32 s1, $0x2  }
0xbb: {  	s3 =	sand.u32 $0x4000, s31;
	s1 =	sadd.s32 s1, s30  }
0xbc: {  	s0 =	sor.u32 s3, s0;
	s1 =	sshll.u32 s1, $0x11  }
0xbd: {  	s0 =	sor.u32 s1, s0  }
0xbe: {  	s0 =	sadd.s32 $0x8F2B, s0  }
0xbf: {  	[sflag:s0] =	ssyncadd.remote.s32 $0x1  }
0xc0: {  	_ =	sfence.sel $0xFFFF  }
0xc1: {  	[dreg:$0x0] =	wrdreg $0xFFFFFFFF;
	(pc) =	sbr.abs _section_cstart, $3  }
0xc2: {  	[dreg:$0x1] =	wrdreg $0xFFFFFFFF  }
0xc3: {  	_ =	task.clear_ibuf [dreg:s8], $0x2FFFF;
	_ =	strace $0x9FFFFFFF  }
0xc4: {  	(tm) =	ssettm $0x7FFFFFFF  }
0xc5: {  	_ =	shalt  }
tec
execute0_lowered:
.L_overlay_start_1:
0x0: {  	(tag) =	ssettag $0x1  }
0x1: {  	s0 =	rddreg [dreg:$0x0]  }
0x2: {  	s2 =	rddreg [dreg:$0x1]  }
0x3: {  	s1 =	srdreg.scid;
	s7 =	stileid.u32  }
0x4: {  	s4 =	simm.s32 $0x0;
	s30 =	simm.s32 $0x3400;
	s29 =	simm.s32 $0xD400  }
0x5: {  	s31 =	simm.s32 $0xF400;
	s8 =	simm.s32 $0xA;
	s9 =	simm.s32 $0xB  }
0x6: {  	s10 =	simm.s32 $0xC;
	s11 =	simm.s32 $0xD;
	s12 =	simm.s32 $0xE  }
0x7: {  	s1 =	sand.u32 $0x1, s1;
	s3 =	sshll.u32 s7, $0x1;
	[smem:$0x7FF] =	sst s4  }
0x8: {  	s7 =	sshll.u32 s7, $0xF;
	s3 =	sor.u32 s1, s3;
	_ =	strace $0x80000047  }
0x9: {  	s5 =	ssub.s32 $0x2, s1;
	s1 =	sshll.u32 s1, $0xE;
	s3 =	smul.u32 $0x680, s3  }
0xa: {  	s6 =	sshrl.u32 s5, $0x1;
	s1 =	sor.u32 s1, s7;
	s7 =	simm.s32 $0x9  }
0xb: {  	s13 =	ssub.s32 s5, s6;
	s15 =	sor.u32 $0x202000, s1;
	s16 =	sor.u32 $0x200000, s1  }
0xc: {  	s17 =	sor.u32 $0x182000, s1;
	s19 =	sor.u32 $0x180000, s1;
	s20 =	sor.u32 $0x102000, s1  }
0xd: {  	s21 =	sor.u32 $0x100000, s1;
	s23 =	sor.u32 $0x82000, s1;
	s24 =	sor.u32 $0x80000, s1  }
0xe: {  	s25 =	sor.u32 $0x2000, s1;
	s28 =	sshrl.u32 s1, $0x3;
	s6 =	simm.s32 $0x7  }
0xf: {  	s0 =	sadd.s32 s3, s0;
	s14 =	smax.u32 s13, $0x1;
	[dreg:$0xf] =	wrdreg s28  }
0x10: {  	s18 =	sshrl.u32 s17, $0x3;
	s22 =	sshrl.u32 s21, $0x3;
	[dreg:$0x5] =	wrdreg s14  }
0x11: {  	s26 =	sshrl.u32 s25, $0x3;
	s17 =	simm.s32 $0x8;
	[dreg:$0x8] =	wrdreg s18  }
0x12: {  	s13 =	simm.s32 $0xF;
	s21 =	simm.s32 $0x14;
	[dreg:$0xb] =	wrdreg s22  }
0x13: {  	s0 =	sadd.s32 $0x400, s0;
	[dreg:$0xe] =	wrdreg s26;
	s18 =	simm.s32 $0x40  }
0x14: {  	s26 =	simm.s32 $0xB400;
	[dreg:$0x4] =	wrdreg s0;
	s0 =	sshrl.u32 s15, $0x3  }
0x15: {  	s14 =	simm.s32 $0x10;
	[dreg:$0x6] =	wrdreg s0;
	s0 =	sshrl.u32 s16, $0x3  }
.Ltmp0:
0x16: {  	[dreg:$0x7] =	wrdreg s0;
	s0 =	sshrl.u32 s19, $0x3;
	(pc) =	sbr.rel .LBB2_1-.Ltmp0, $4  }
0x17: {  	s15 =	simm.s32 $0x11;
	[dreg:$0x9] =	wrdreg s0;
	s0 =	sshrl.u32 s20, $0x3  }
0x18: {  	s16 =	simm.s32 $0x12;
	[dreg:$0xa] =	wrdreg s0;
	s0 =	sshrl.u32 s23, $0x3  }
0x19: {  	s19 =	simm.s32 $0x13;
	[dreg:$0xc] =	wrdreg s0;
	s0 =	sshrl.u32 s24, $0x3  }
0x1a: {  	s24 =	simm.s32 $0x15400;
	[dreg:$0xd] =	wrdreg s0;
	s0 =	simm.s32 $0x0  }
.LBB2_4:
0x1b: {  	_ =	swait.ge [sflag:s10], $0x2000  }
0x1c: {  	[sflag:s10] =	ssyncset.done $0x0  }
0x1d: {  	[sflag:s10] =	ssyncadd.s32 $0xFFFFE000  }
0x1e: {  	_ =	swait.ge [sflag:s11], $0x2000  }
0x1f: {  	[sflag:s11] =	ssyncset.done $0x0  }
0x20: {  	[sflag:s11] =	ssyncadd.s32 $0xFFFFE000  }
0x21: {  	_ =	swait.ge [sflag:s12], $0x2000  }
0x22: {  	[sflag:s12] =	ssyncset.done $0x0  }
0x23: {  	[sflag:s12] =	ssyncadd.s32 $0xFFFFE000  }
0x24: {  	_ =	swait.ge [sflag:s13], $0x2000  }
0x25: {  	[sflag:s13] =	ssyncset.done $0x0  }
0x26: {  	[sflag:s13] =	ssyncadd.s32 $0xFFFFE000  }
0x27: {  	_ =	swait.ge [sflag:s14], $0x2000  }
0x28: {  	[sflag:s14] =	ssyncset.done $0x0  }
0x29: {  	[sflag:s14] =	ssyncadd.s32 $0xFFFFE000  }
0x2a: {  	_ =	swait.ge [sflag:s15], $0x2000  }
0x2b: {  	[sflag:s15] =	ssyncset.done $0x0  }
0x2c: {  	[sflag:s15] =	ssyncadd.s32 $0xFFFFE000  }
0x2d: {  	_ =	swait.ge [sflag:s16], $0x2000  }
0x2e: {  	[sflag:s16] =	ssyncset.done $0x0  }
0x2f: {  	[sflag:s16] =	ssyncadd.s32 $0xFFFFE000  }
0x30: {  	_ =	swait.ge [sflag:s19], $0x2000  }
0x31: {  	[sflag:s19] =	ssyncset.done $0x0  }
0x32: {  	[sflag:s19] =	ssyncadd.s32 $0xFFFFE000  }
0x33: {  	_ =	swait.ge [sflag:s21], $0x2000  }
0x34: {  	s0 =	rddreg [dreg:$0x10]  }
0x35: {  	s23 =	rddreg [dreg:$0x5];
	s0 =	sadd.s32 $0x1, s0  }
0x36: {  	p0 =	sne.s32 s0, s23  }
.Ltmp1:
0x37: {  	_ = 	snop;
	(pc) =	sbr.rel @!p0 .LBB2_5-.Ltmp1, $3  }
0x38: {  	_ =	sdelay $0x1  }
0x39: {  	s26 =	simm.s32 $0xB400;
	s29 =	simm.s32 $0xD400;
	[sflag:s21] =	ssyncset.done $0x0  }
0x3a: {  	s31 =	simm.s32 $0xF400;
	s24 =	simm.s32 $0x15400;
	[sflag:s21] =	ssyncadd.s32 $0xFFFFE000  }
.LBB2_1:
0x3b: {  	[dreg:$0x10] =	wrdreg s0  }
0x3c: {  	s23 =	rddreg [dreg:$0x4];
	s20 =	simm.s32 $0x15  }
0x3d: {  	[tilespmem:s4], [sflag:$0x15] =	stream.linear.gather [hbm4b:s23+s4], $0x3200, $0x38;
	[tilespmem:$0x17400] =	vst v63  }
0x3e: {  	_ =	swait.ge [sflag:s20], $0x3200  }
0x3f: {  	[sflag:s20] =	ssyncset.done $0x0  }
0x40: {  	[sflag:s20] =	ssyncadd.s32 $0xFFFFCE00  }
0x41: {  	[tilespmem:s30], [sflag:$0x1] =	stream.indirect.gather [hbm4b:s2+s18], $0x80, s4, s18, $0xb8;
	[tilespmem:$0x17400] =	vst v63  }
0x42: {  	s22 =	simm.s32 $0x80;
	s3 =	simm.s32 $0x5400  }
0x43: {  	[tilespmem:s3], [sflag:$0x2] =	stream.indirect.gather [hbm4b:s2+s18], $0x80, s22, s18, $0xb8;
	[tilespmem:$0x17400] =	vst v63  }
0x44: {  	s23 =	simm.s32 $0x100;
	s22 =	simm.s32 $0x7400  }
0x45: {  	[tilespmem:s22], [sflag:$0x3] =	stream.indirect.gather [hbm4b:s2+s18], $0x80, s23, s18, $0xb8;
	[tilespmem:$0x17400] =	vst v63  }
0x46: {  	s25 =	simm.s32 $0x180;
	s28 =	simm.s32 $0x9400  }
0x47: {  	[tilespmem:s28], [sflag:$0x4] =	stream.indirect.gather [hbm4b:s2+s18], $0x80, s25, s18, $0xb8;
	[tilespmem:$0x17400] =	vst v63  }
0x48: {  	s1 =	simm.s32 $0x200  }
0x49: {  	[tilespmem:s26], [sflag:$0x5] =	stream.indirect.gather [hbm4b:s2+s18], $0x80, s1, s18, $0xb8;
	[tilespmem:$0x17400] =	vst v63  }
0x4a: {  	s0 =	simm.s32 $0x5400;
	s5 =	simm.s32 $0x280  }
0x4b: {  	[tilespmem:s29], [sflag:$0x6] =	stream.indirect.gather [hbm4b:s2+s18], $0x80, s5, s18, $0xb8;
	[tilespmem:$0x17400] =	vst v63  }
0x4c: {  	s20 =	simm.s32 $0x300;
	s3 =	simm.s32 $0x7400;
	s22 =	simm.s32 $0x9400  }
0x4d: {  	[tilespmem:s31], [sflag:$0x7] =	stream.indirect.gather [hbm4b:s2+s18], $0x80, s20, s18, $0xb8;
	[tilespmem:$0x17400] =	vst v63  }
0x4e: {  	s23 =	simm.s32 $0x400;
	s1 =	simm.s32 $0x380;
	s20 =	simm.s32 $0x11400  }
0x4f: {  	[tilespmem:s20], [sflag:$0x8] =	stream.indirect.gather [hbm4b:s2+s18], $0x80, s1, s18, $0xb8;
	[tilespmem:$0x17400] =	vst v63  }
0x50: {  	s25 =	simm.s32 $0x13400;
	s28 =	simm.s32 $0x480;
	s1 =	simm.s32 $0x11400  }
0x51: {  	[tilespmem:s25], [sflag:$0x9] =	stream.indirect.gather [hbm4b:s2+s18], $0x80, s23, s18, $0xb8;
	[tilespmem:$0x17400] =	vst v63  }
0x52: {  	s20 =	simm.s32 $0x13400;
	s23 =	rddreg [dreg:$0x2];
	s25 =	simm.s32 $0x0  }
0x53: {  	[tilespmem:s24], [sflag:$0xA] =	stream.indirect.gather [hbm4b:s2+s18], $0x80, s28, s18, $0xb8;
	[tilespmem:$0x17400] =	vst v63  }
.LBB2_2:
0x54: {  	s5 =	simm.s32 $0x1  }
0x55: {  	_ =	swait.ge [sflag:s5], $0x2000  }
0x56: {  	[sflag:s5] =	ssyncset.done $0x0;
	s28 =	rddreg [dreg:$0xf]  }
0x57: {  	[sflag:s5] =	ssyncadd.s32 $0xFFFFE000;
	s28 =	sadd.s32 s23, s28  }
0x58: {  	[hbm4b:s28+s4] =	stream.linear.scatter [tilespmem:s30], [sflag:$0xB], $0x2000, $0x38;
	[tilespmem:$0x17400] =	vst v63  }
0x59: {  	s28 =	simm.s32 $0x2  }
0x5a: {  	_ =	swait.ge [sflag:s28], $0x2000  }
0x5b: {  	[sflag:s28] =	ssyncset.done $0x0;
	s5 =	rddreg [dreg:$0xe]  }
0x5c: {  	[sflag:s28] =	ssyncadd.s32 $0xFFFFE000;
	s28 =	sadd.s32 s23, s5  }
0x5d: {  	[hbm4b:s28+s4] =	stream.linear.scatter [tilespmem:s0], [sflag:$0xC], $0x2000, $0x38;
	[tilespmem:$0x17400] =	vst v63  }
0x5e: {  	s28 =	simm.s32 $0x3  }
0x5f: {  	_ =	swait.ge [sflag:s28], $0x2000  }
0x60: {  	[sflag:s28] =	ssyncset.done $0x0;
	s5 =	rddreg [dreg:$0xd]  }
0x61: {  	[sflag:s28] =	ssyncadd.s32 $0xFFFFE000;
	s28 =	sadd.s32 s23, s5  }
0x62: {  	[hbm4b:s28+s4] =	stream.linear.scatter [tilespmem:s3], [sflag:$0xD], $0x2000, $0x38;
	[tilespmem:$0x17400] =	vst v63  }
0x63: {  	s28 =	simm.s32 $0x4  }
0x64: {  	_ =	swait.ge [sflag:s28], $0x2000  }
0x65: {  	[sflag:s28] =	ssyncset.done $0x0;
	s3 =	rddreg [dreg:$0xc]  }
0x66: {  	s5 =	simm.s32 $0x5;
	[sflag:s28] =	ssyncadd.s32 $0xFFFFE000;
	s28 =	sadd.s32 s23, s3  }
0x67: {  	[hbm4b:s28+s4] =	stream.linear.scatter [tilespmem:s22], [sflag:$0xE], $0x2000, $0x38;
	[tilespmem:$0x17400] =	vst v63  }
0x68: {  	_ =	swait.ge [sflag:s5], $0x2000  }
0x69: {  	[sflag:s5] =	ssyncset.done $0x0;
	s22 =	rddreg [dreg:$0xb]  }
0x6a: {  	[sflag:s5] =	ssyncadd.s32 $0xFFFFE000;
	s28 =	sadd.s32 s23, s22  }
0x6b: {  	[hbm4b:s28+s4] =	stream.linear.scatter [tilespmem:s26], [sflag:$0xF], $0x2000, $0x38;
	[tilespmem:$0x17400] =	vst v63  }
0x6c: {  	s28 =	simm.s32 $0x6  }
0x6d: {  	_ =	swait.ge [sflag:s28], $0x2000  }
0x6e: {  	[sflag:s28] =	ssyncset.done $0x0;
	s0 =	rddreg [dreg:$0xa]  }
0x6f: {  	[sflag:s28] =	ssyncadd.s32 $0xFFFFE000;
	s28 =	sadd.s32 s23, s0  }
0x70: {  	[hbm4b:s28+s4] =	stream.linear.scatter [tilespmem:s29], [sflag:$0x10], $0x2000, $0x38;
	[tilespmem:$0x17400] =	vst v63  }
0x71: {  	_ =	swait.ge [sflag:s6], $0x2000  }
0x72: {  	[sflag:s6] =	ssyncset.done $0x0;
	s3 =	rddreg [dreg:$0x9]  }
0x73: {  	[sflag:s6] =	ssyncadd.s32 $0xFFFFE000;
	s28 =	sadd.s32 s23, s3  }
0x74: {  	[hbm4b:s28+s4] =	stream.linear.scatter [tilespmem:s31], [sflag:$0x11], $0x2000, $0x38;
	[tilespmem:$0x17400] =	vst v63  }
0x75: {  	_ =	swait.ge [sflag:s17], $0x2000  }
0x76: {  	[sflag:s17] =	ssyncset.done $0x0;
	s5 =	rddreg [dreg:$0x8]  }
0x77: {  	[sflag:s17] =	ssyncadd.s32 $0xFFFFE000;
	s28 =	sadd.s32 s23, s5  }
0x78: {  	[hbm4b:s28+s4] =	stream.linear.scatter [tilespmem:s1], [sflag:$0x12], $0x2000, $0x38;
	[tilespmem:$0x17400] =	vst v63  }
0x79: {  	_ =	swait.ge [sflag:s7], $0x2000  }
0x7a: {  	[sflag:s7] =	ssyncset.done $0x0;
	s22 =	rddreg [dreg:$0x7]  }
0x7b: {  	p0 =	seq.s32 s25, $0xB400;
	[sflag:s7] =	ssyncadd.s32 $0xFFFFE000;
	s28 =	sadd.s32 s23, s22  }
0x7c: {  	[hbm4b:s28+s4] =	stream.linear.scatter [tilespmem:s20], [sflag:$0x13], $0x2000, $0x38;
	[tilespmem:$0x17400] =	vst v63  }
0x7d: {  	s29 =	simm.s32 $0xB400;
	s3 =	simm.s32 $0x5400;
	_ =	swait.ge [sflag:s8], $0x2000  }
0x7e: {  	s31 =	simm.s32 $0xD400;
	[sflag:s8] =	ssyncset.done $0x0;
	s26 =	rddreg [dreg:$0x6]  }
.Ltmp2:
0x7f: {  	[sflag:s8] =	ssyncadd.s32 $0xFFFFE000;
	s28 =	sadd.s32 s23, s26;
	(pc) =	sbr.rel @p0 .LBB2_4-.Ltmp2, $4  }
0x80: {  	[hbm4b:s28+s4] =	stream.linear.scatter [tilespmem:s24], [sflag:$0x14], $0x2000, $0x38;
	[tilespmem:$0x17400] =	vst v63  }
0x81: {  	s5 =	simm.s32 $0x15400;
	s1 =	simm.s32 $0xF400;
	_ =	swait.ge [sflag:s9], $0x2000  }
0x82: {  	s22 =	simm.s32 $0x7400;
	s20 =	simm.s32 $0x11400;
	[sflag:s9] =	ssyncset.done $0x0  }
0x83: {  	s26 =	simm.s32 $0x9400;
	s24 =	simm.s32 $0x13400;
	[sflag:s9] =	ssyncadd.s32 $0xFFFFE000  }
0x84: {  	s28 =	sshra.s32 s25, $0x2  }
0x85: {  	s0 =	simm.s32 $0x3400;
	s30 =	sadd.s32 $0x500, s28  }
0x86: {  	[tilespmem:s0], [sflag:$0x1] =	stream.indirect.gather [hbm4b:s2+s18], $0x80, s30, s18, $0xb8;
	[tilespmem:$0x17400] =	vst v63  }
0x87: {  	_ =	swait.ge [sflag:s10], $0x2000  }
0x88: {  	[sflag:s10] =	ssyncset.done $0x0  }
0x89: {  	s30 =	sadd.s32 $0x580, s28;
	[sflag:s10] =	ssyncadd.s32 $0xFFFFE000  }
0x8a: {  	[tilespmem:s3], [sflag:$0x2] =	stream.indirect.gather [hbm4b:s2+s18], $0x80, s30, s18, $0xb8;
	[tilespmem:$0x17400] =	vst v63  }
0x8b: {  	_ =	swait.ge [sflag:s11], $0x2000  }
0x8c: {  	[sflag:s11] =	ssyncset.done $0x0  }
0x8d: {  	s30 =	sadd.s32 $0x600, s28;
	[sflag:s11] =	ssyncadd.s32 $0xFFFFE000  }
0x8e: {  	[tilespmem:s22], [sflag:$0x3] =	stream.indirect.gather [hbm4b:s2+s18], $0x80, s30, s18, $0xb8;
	[tilespmem:$0x17400] =	vst v63  }
0x8f: {  	_ =	swait.ge [sflag:s12], $0x2000  }
0x90: {  	[sflag:s12] =	ssyncset.done $0x0  }
0x91: {  	s30 =	sadd.s32 $0x680, s28;
	[sflag:s12] =	ssyncadd.s32 $0xFFFFE000  }
0x92: {  	[tilespmem:s26], [sflag:$0x4] =	stream.indirect.gather [hbm4b:s2+s18], $0x80, s30, s18, $0xb8;
	[tilespmem:$0x17400] =	vst v63  }
0x93: {  	_ =	swait.ge [sflag:s13], $0x2000  }
0x94: {  	[sflag:s13] =	ssyncset.done $0x0  }
0x95: {  	s30 =	sadd.s32 $0x700, s28;
	[sflag:s13] =	ssyncadd.s32 $0xFFFFE000  }
0x96: {  	[tilespmem:s29], [sflag:$0x5] =	stream.indirect.gather [hbm4b:s2+s18], $0x80, s30, s18, $0xb8;
	[tilespmem:$0x17400] =	vst v63  }
0x97: {  	_ =	swait.ge [sflag:s14], $0x2000  }
0x98: {  	[sflag:s14] =	ssyncset.done $0x0  }
0x99: {  	s30 =	sadd.s32 $0x780, s28;
	[sflag:s14] =	ssyncadd.s32 $0xFFFFE000  }
0x9a: {  	[tilespmem:s31], [sflag:$0x6] =	stream.indirect.gather [hbm4b:s2+s18], $0x80, s30, s18, $0xb8;
	[tilespmem:$0x17400] =	vst v63  }
0x9b: {  	_ =	swait.ge [sflag:s15], $0x2000  }
0x9c: {  	[sflag:s15] =	ssyncset.done $0x0  }
0x9d: {  	s30 =	sadd.s32 $0x800, s28;
	[sflag:s15] =	ssyncadd.s32 $0xFFFFE000  }
0x9e: {  	[tilespmem:s1], [sflag:$0x7] =	stream.indirect.gather [hbm4b:s2+s18], $0x80, s30, s18, $0xb8;
	[tilespmem:$0x17400] =	vst v63  }
0x9f: {  	_ =	swait.ge [sflag:s16], $0x2000  }
0xa0: {  	[sflag:s16] =	ssyncset.done $0x0  }
0xa1: {  	s30 =	sadd.s32 $0x880, s28;
	[sflag:s16] =	ssyncadd.s32 $0xFFFFE000  }
0xa2: {  	[tilespmem:s20], [sflag:$0x8] =	stream.indirect.gather [hbm4b:s2+s18], $0x80, s30, s18, $0xb8;
	[tilespmem:$0x17400] =	vst v63  }
0xa3: {  	s25 =	sadd.s32 $0x1400, s25;
	s23 =	sadd.s32 $0x50000, s23;
	_ =	swait.ge [sflag:s19], $0x2000  }
0xa4: {  	s0 =	simm.s32 $0x5400;
	s3 =	simm.s32 $0x7400;
	[sflag:s19] =	ssyncset.done $0x0  }
0xa5: {  	s22 =	simm.s32 $0x9400;
	s30 =	sadd.s32 $0x900, s28;
	[sflag:s19] =	ssyncadd.s32 $0xFFFFE000  }
0xa6: {  	[tilespmem:s24], [sflag:$0x9] =	stream.indirect.gather [hbm4b:s2+s18], $0x80, s30, s18, $0xb8;
	[tilespmem:$0x17400] =	vst v63  }
.Ltmp3:
0xa7: {  	s26 =	simm.s32 $0xB400;
	s29 =	simm.s32 $0xD400;
	(pc) =	sbr.rel .LBB2_2-.Ltmp3, $4  }
0xa8: {  	s31 =	simm.s32 $0xF400;
	s1 =	simm.s32 $0x11400;
	_ =	swait.ge [sflag:s21], $0x2000  }
0xa9: {  	s28 =	sadd.s32 $0x980, s28;
	s20 =	simm.s32 $0x13400;
	[sflag:s21] =	ssyncset.done $0x0  }
0xaa: {  	s30 =	simm.s32 $0x3400;
	s24 =	simm.s32 $0x15400;
	[sflag:s21] =	ssyncadd.s32 $0xFFFFE000  }
0xab: {  	[tilespmem:s5], [sflag:$0xA] =	stream.indirect.gather [hbm4b:s2+s18], $0x80, s28, s18, $0xb8;
	[tilespmem:$0x17400] =	vst v63  }
.LBB2_5:
0xac: {  	_ =	sfence.sel $0x180000  }
0xad: {  	[bflag:$0x0] =	sbarrier.arrive $0xFFFF  }
0xae: {  	_ =	strace $0x90000047  }
0xaf: {  	s0 =	stileid.u32;
	[bflag:$0x2] =	sbarrier.arrive $0xFFFF  }
0xb0: {  	p0 =	sne.s32 s0, $0x0;
	s0 =	rddreg [dreg:$0x3]  }
0xb1: {  	s0 =	sadd.s32 @!p0 $0x100000, s0  }
0xb2: {  	[sflag:s0] =	ssyncadd.tile.s32 @!p0 $0x1;
	_ =	shalt  }
.Lfunc_end2:
_tile_overlayer_lowered:
.L_overlay_start_2:
0xb3: {  	(tag) =	ssettag $0x2  }
0xb4: {  	s0 =	rddreg [dreg:$0x0];
	s2 =	stileid.u32  }
0xb5: {  	s1 =	rddreg [dreg:$0x1];
	p0 =	sne.s32 s2, $0x0  }
0xb6: {  	s3 =	rddreg [dreg:$0x2];
	[bflag:$0x3] =	sbarrier.arrive $0xFFFF;
	s2 =	simm.s32 @!p0 $0x1C15  }
0xb7: {  	[timem:s3], [sflag:s2] =	dma.local @!p0 [hbm:s0], s1  }
0xb8: {  	s0 =	simm.s32 @!p0 $0x15  }
0xb9: {  	_ =	swait.ge @!p0 [sflag:s0], s1  }
0xba: {  	s1 =	ssub.s32 @!p0 $0x0, s1;
	[sflag:s0] =	ssyncset.done @!p0 $0x0  }
0xbb: {  	[sflag:s0] =	ssyncadd.s32 @!p0 s1  }
0xbc: {  	[bflag:$0x3] =	sbarrier.arrive $0xFFFF  }
0xbd: {  	_ =	shalt  }

</sc_bundles>
